<compile_context>
chip_gen: v7x
topology: tpu7x:2x2x1
jax: 0.10.2.dev20260603
libtpu: 0.0.44.dev20260713+nightly
codegen_flags: <defaults>
</compile_context>

<pallas_src>
import functools

import jax
import jax.numpy as jnp
from jax import lax
from jax.experimental import pallas as pl
from jax.experimental.pallas import tpu as pltpu
from jax.experimental.pallas import tpu_sc as plsc

EMB = 1000
D = 128
B = 16384
L = 16
NC, NS = 2, 16
NW = NC * NS
PW = B // NW
CHUNK = 128
NCHUNK = PW // CHUNK

LN2 = 0.6931471805599453
C75 = 3.4538776394910684


def _ln(x):
    bits = plsc.bitcast(x, jnp.int32)
    e = ((bits >> 23) & 0xFF) - 127
    m = plsc.bitcast((bits & 0x7FFFFF) | 0x3F800000, jnp.float32)
    big = m > 1.3333334
    m = jnp.where(big, m * 0.5, m)
    e = (e + jnp.where(big, 1, 0)).astype(jnp.float32)
    z = (m - 1.0) / (m + 1.0)
    z2 = z * z
    lnm = 2.0 * z * (1.0 + z2 * (0.33333334 + z2 * (0.2 + z2 * 0.14285715)))
    return e * LN2 + lnm


def _glove_body(widx_h, cidx_h, wemb_h, cemh_h, wb_h, cb_h, cooc_h, out_h,
                widx_v, cidx_v, flat_v, wbt_v, cbt_v, cc_v, s_v, wf_v,
                wrow_v, crow_v, acc_v, shw_v, shc_v,
                sem_wb, sem_cb, sem_cc, sem_w0, sem_w1, sem_c0, sem_c1):
    cemb_h = cemh_h
    c = lax.axis_index("c")
    s = lax.axis_index("s")
    wid = s * NC + c
    base = wid * PW
    sem_w = (sem_w0, sem_w1)
    sem_c = (sem_c0, sem_c1)

    cp_wb = pltpu.async_copy(wb_h, wbt_v, sem_wb)
    cp_cb = pltpu.async_copy(cb_h, cbt_v, sem_cb)

    @pl.when(s < 8)
    def _():
        o = s * 125
        pltpu.sync_copy(wemb_h.at[pl.ds(o, 125)], shw_v.at[pl.ds(o, 125)])

    @pl.when(s >= 8)
    def _():
        o = (s - 8) * 125
        pltpu.sync_copy(cemb_h.at[pl.ds(o, 125)], shc_v.at[pl.ds(o, 125)])

    pltpu.sync_copy(widx_h.at[pl.ds(base, PW)], widx_v)
    pltpu.sync_copy(cidx_h.at[pl.ds(base, PW)], cidx_v)

    cps = [None, None]

    def fire(k):
        b = k % 2
        cw = pltpu.async_copy(
            shw_v.at[widx_v.at[pl.ds(k * CHUNK, CHUNK)]], wrow_v.at[b],
            sem_w[b])
        cx = pltpu.async_copy(
            shc_v.at[cidx_v.at[pl.ds(k * CHUNK, CHUNK)]], crow_v.at[b],
            sem_c[b])
        cps[b] = (cw, cx)

    def flat_body(i, _):
        o = i * L
        flat_v[pl.ds(o, L)] = widx_v[pl.ds(o, L)] * EMB + cidx_v[pl.ds(o, L)]
        return 0

    lax.fori_loop(0, PW // L, flat_body, 0)
    cp_cc = pltpu.async_copy(cooc_h.at[flat_v], cc_v, sem_cc)

    plsc.subcore_barrier()
    fire(0)
    fire(1)

    cp_wb.wait()
    cp_cb.wait()
    cp_cc.wait()

    def prep_body(i, _):
        o = i * L
        lncc = _ln(cc_v[pl.ds(o, L)])
        wf = jnp.minimum(jnp.exp(0.75 * lncc - C75), 1.0)
        wb = plsc.load_gather(wbt_v, [widx_v[pl.ds(o, L)]])
        cb = plsc.load_gather(cbt_v, [cidx_v[pl.ds(o, L)]])
        s_v[pl.ds(o, L)] = wb + cb - lncc
        wf_v[pl.ds(o, L)] = wf
        return 0

    lax.fori_loop(0, PW // L, prep_body, 0)

    acc = jnp.zeros((L,), jnp.float32)
    for k in range(NCHUNK):
        b = k % 2
        cw, cx = cps[b]
        cw.wait()
        cx.wait()
        wr = wrow_v.at[b]
        cr = crow_v.at[b]

        def pair_body(p, a, k=k, wr=wr, cr=cr):
            g = jnp.full((L,), k * CHUNK, jnp.int32) + p
            sv = plsc.load_gather(s_v, [g])
            wfv = plsc.load_gather(wf_v, [g])
            cs = []
            for j in range(D // L):
                t = wr[p, pl.ds(j * L, L)] * cr[p, pl.ds(j * L, L)] + sv
                cs.append((wfv * t) * t)
            while len(cs) > 1:
                cs = [cs[i] + cs[i + 1] for i in range(0, len(cs), 2)]
            return a + cs[0]

        acc = plsc.parallel_loop(0, CHUNK, unroll=2, carry=acc)(pair_body)
        if k + 2 < NCHUNK:
            fire(k + 2)

    acc_v[...] = acc
    pltpu.sync_copy(acc_v, out_h.at[wid])


@jax.jit
def _glove(w_idx, c_idx, w_emb, c_emb, wb, cb, cooc_flat):
    mesh = plsc.VectorSubcoreMesh(core_axis_name="c", subcore_axis_name="s")
    f = pl.kernel(
        _glove_body,
        out_type=jax.ShapeDtypeStruct((NW, L), jnp.float32),
        mesh=mesh,
        compiler_params=pltpu.CompilerParams(
            needs_layout_passes=False, use_tc_tiling_on_sc=False),
        scratch_types=[
            pltpu.VMEM((PW,), jnp.int32),
            pltpu.VMEM((PW,), jnp.int32),
            pltpu.VMEM((PW,), jnp.int32),
            pltpu.VMEM((EMB,), jnp.float32),
            pltpu.VMEM((EMB,), jnp.float32),
            pltpu.VMEM((PW,), jnp.float32),
            pltpu.VMEM((PW,), jnp.float32),
            pltpu.VMEM((PW,), jnp.float32),
            pltpu.VMEM((2, CHUNK, D), jnp.float32),
            pltpu.VMEM((2, CHUNK, D), jnp.float32),
            pltpu.VMEM((L,), jnp.float32),
            pltpu.VMEM_SHARED((EMB, D), jnp.float32),
            pltpu.VMEM_SHARED((EMB, D), jnp.float32),
            pltpu.SemaphoreType.DMA,
            pltpu.SemaphoreType.DMA,
            pltpu.SemaphoreType.DMA,
            pltpu.SemaphoreType.DMA,
            pltpu.SemaphoreType.DMA,
            pltpu.SemaphoreType.DMA,
            pltpu.SemaphoreType.DMA,
        ],
    )
    partials = f(w_idx, c_idx, w_emb, c_emb, wb, cb, cooc_flat)
    return jnp.sum(partials)


def kernel(w_idx, c_idx, w_emb, c_emb, w_bias, c_bias, cooc):
    return _glove(
        w_idx.astype(jnp.int32),
        c_idx.astype(jnp.int32),
        w_emb,
        c_emb,
        w_bias.reshape(EMB),
        c_bias.reshape(EMB),
        cooc.reshape(EMB * EMB),
    )

# --- scband reference (transcript-rebuilt; emitter-appended) ---
"""Pipeline reference for scband-glo-ve-42606075576775 (READ-ONLY COPY).

The authoritative reference and input builder live on the scoring server;
editing this copy changes nothing except your own understanding.
"""

import jax, jax.numpy as jnp
import numpy as np

EMB_SIZE = 1000
EMB_DIM = 128
BATCH = 16384
X_MAX = 100.0
ALPHA = 0.75


def setup_inputs(seed: int = 0) -> dict:
    key = jax.random.key(seed)
    k1, k2, k3, k4, k5, k6, k7 = jax.random.split(key, 7)
    return {
        "w_idx": jax.random.randint(k1, (BATCH,), 0, EMB_SIZE, dtype=jnp.int64) if jax.config.jax_enable_x64 else jax.random.randint(k1, (BATCH,), 0, EMB_SIZE, dtype=jnp.int32),
        "c_idx": jax.random.randint(k2, (BATCH,), 0, EMB_SIZE, dtype=jnp.int64) if jax.config.jax_enable_x64 else jax.random.randint(k2, (BATCH,), 0, EMB_SIZE, dtype=jnp.int32),
        "w_emb": jax.random.normal(k3, (EMB_SIZE, EMB_DIM), dtype=jnp.float32),
        "c_emb": jax.random.normal(k4, (EMB_SIZE, EMB_DIM), dtype=jnp.float32),
        "w_bias": jax.random.normal(k5, (EMB_SIZE, 1), dtype=jnp.float32),
        "c_bias": jax.random.normal(k6, (EMB_SIZE, 1), dtype=jnp.float32),
        # co-occurrence counts; strictly positive so log(cc) is finite
        "cooc": jax.random.uniform(k7, (EMB_SIZE, EMB_SIZE), dtype=jnp.float32, minval=0.5, maxval=200.0),
    }


def reference(w_idx, c_idx, w_emb, c_emb, w_bias, c_bias, cooc):
    # embedding gathers (SparseCore-friendly: jnp.take / fancy indexing)
    w_vec = jnp.take(w_emb, w_idx, axis=0)          # [B, D]
    c_vec = jnp.take(c_emb, c_idx, axis=0)          # [B, D]
    wb = w_bias[w_idx]                              # [B, 1]
    cb = c_bias[c_idx]                              # [B, 1]
    cc = cooc[w_idx, c_idx][:, None]                # [B, 1]
    # weighting function f(X_ij) = min((X/x_max)^alpha, 1)
    wf = jnp.minimum(jnp.power(cc / X_MAX, ALPHA), 1.0)
    # NOTE: faithful to the torch module: elementwise product (not dot),
    # broadcast biases over the embedding dim, then sum everything.
    loss = jnp.sum(wf * (w_vec * c_vec + wb + cb - jnp.log(cc)) ** 2)
    return loss

if __name__ == "__main__":
    import jax
    _d = setup_inputs()
    print(jax.jit(kernel)(*tuple(_d.values())))

</pallas_src>

<mosaic_0001>
#map = affine_map<(d0, d1) -> (0)>
#map1 = affine_map<(d0, d1) -> (0, 0)>
module attributes {stable_mosaic.version = 14 : i64} {
  func.func @_glove_body(%arg0: i32, %arg1: i32, %arg2: memref<16384xi32, #tpu.memory_space<hbm>>, %arg3: memref<16384xi32, #tpu.memory_space<hbm>>, %arg4: memref<1000x128xf32, #tpu.memory_space<hbm>>, %arg5: memref<1000x128xf32, #tpu.memory_space<hbm>>, %arg6: memref<1000xf32, #tpu.memory_space<hbm>>, %arg7: memref<1000xf32, #tpu.memory_space<hbm>>, %arg8: memref<1000000xf32, #tpu.memory_space<hbm>>, %arg9: memref<32x16xf32, #tpu.memory_space<hbm>>, %arg10: memref<512xi32, #tpu.memory_space<vmem>>, %arg11: memref<512xi32, #tpu.memory_space<vmem>>, %arg12: memref<512xi32, #tpu.memory_space<vmem>>, %arg13: memref<1000xf32, #tpu.memory_space<vmem>>, %arg14: memref<1000xf32, #tpu.memory_space<vmem>>, %arg15: memref<512xf32, #tpu.memory_space<vmem>>, %arg16: memref<512xf32, #tpu.memory_space<vmem>>, %arg17: memref<512xf32, #tpu.memory_space<vmem>>, %arg18: memref<2x128x128xf32, #tpu.memory_space<vmem>>, %arg19: memref<2x128x128xf32, #tpu.memory_space<vmem>>, %arg20: memref<16xf32, #tpu.memory_space<vmem>>, %arg21: memref<1000x128xf32, #tpu.memory_space<vmem_shared>>, %arg22: memref<1000x128xf32, #tpu.memory_space<vmem_shared>>, %arg23: memref<!tpu.dma_semaphore, #tpu.memory_space<semaphore_mem>>, %arg24: memref<!tpu.dma_semaphore, #tpu.memory_space<semaphore_mem>>, %arg25: memref<!tpu.dma_semaphore, #tpu.memory_space<semaphore_mem>>, %arg26: memref<!tpu.dma_semaphore, #tpu.memory_space<semaphore_mem>>, %arg27: memref<!tpu.dma_semaphore, #tpu.memory_space<semaphore_mem>>, %arg28: memref<!tpu.dma_semaphore, #tpu.memory_space<semaphore_mem>>, %arg29: memref<!tpu.dma_semaphore, #tpu.memory_space<semaphore_mem>>) attributes {dimension_semantics = [#tpu.dimension_semantics<core_parallel>, #tpu.dimension_semantics<subcore_parallel>], iteration_bounds = array<i64: 2, 16>, scalar_prefetch = 0 : i64, scratch_operands = 20 : i64, tpu.core_type = #tpu.core_type<sc_vector_subcore>, window_params = [{transform_indices = #map}, {transform_indices = #map}, {transform_indices = #map1}, {transform_indices = #map1}, {transform_indices = #map}, {transform_indices = #map}, {transform_indices = #map}, {transform_indices = #map1}]} {
    %mul3A = arith.constant 2 : i32
    %mul3A_0 = arith.muli %arg1, %mul3A : i32
    %add3A = arith.addi %mul3A_0, %arg0 : i32
    %mul3A_1 = arith.constant 512 : i32
    %mul3A_2 = arith.muli %add3A, %mul3A_1 : i32
    tpu.enqueue_dma source(%arg6 : memref<1000xf32, #tpu.memory_space<hbm>>) target(%arg13 : memref<1000xf32, #tpu.memory_space<vmem>>) target_semaphore(%arg23 : memref<!tpu.dma_semaphore, #tpu.memory_space<semaphore_mem>>)
    tpu.enqueue_dma source(%arg7 : memref<1000xf32, #tpu.memory_space<hbm>>) target(%arg14 : memref<1000xf32, #tpu.memory_space<vmem>>) target_semaphore(%arg24 : memref<!tpu.dma_semaphore, #tpu.memory_space<semaphore_mem>>)
    %lt3A = arith.constant 8 : i32
    %lt3A_3 = arith.cmpi slt, %arg1, %lt3A : i32
    %convert_element_type3A = arith.extui %lt3A_3 : i1 to i32
    %cond3A = arith.constant 0 : i32
    %cond3A_4 = arith.cmpi ne, %convert_element_type3A, %cond3A : i32
    scf.if %cond3A_4 {
      %mul3A_209 = arith.constant 125 : i32
      %mul3A_210 = arith.muli %arg1, %mul3A_209 : i32
      "tpu.region"() ({
        %run_scoped3A = tpu.sem_alloc : memref<!tpu.dma_semaphore, #tpu.memory_space<semaphore_mem>>
        %dma_start3A_211 = arith.constant 0 : i32
        %dma_start3A_212 = tpu.memref_slice %arg21[%mul3A_210, %dma_start3A_211] : memref<1000x128xf32, #tpu.memory_space<vmem_shared>> -> memref<125x128xf32, #tpu.memory_space<vmem_shared>>
        %dma_start3A_213 = arith.constant 0 : i32
        %dma_start3A_214 = tpu.memref_slice %arg4[%mul3A_210, %dma_start3A_213] : memref<1000x128xf32, #tpu.memory_space<hbm>> -> memref<125x128xf32, #tpu.memory_space<hbm>>
        tpu.enqueue_dma source(%dma_start3A_214 : memref<125x128xf32, #tpu.memory_space<hbm>>) target(%dma_start3A_212 : memref<125x128xf32, #tpu.memory_space<vmem_shared>>) target_semaphore(%run_scoped3A : memref<!tpu.dma_semaphore, #tpu.memory_space<semaphore_mem>>)
        %dma_wait3A_215 = arith.constant 0 : i32
        %dma_wait3A_216 = tpu.memref_slice %arg21[%mul3A_210, %dma_wait3A_215] : memref<1000x128xf32, #tpu.memory_space<vmem_shared>> -> memref<125x128xf32, #tpu.memory_space<vmem_shared>>
        %dma_wait3A_217 = arith.constant 0 : i32
        %dma_wait3A_218 = tpu.memref_slice %arg4[%mul3A_210, %dma_wait3A_217] : memref<1000x128xf32, #tpu.memory_space<hbm>> -> memref<125x128xf32, #tpu.memory_space<hbm>>
        tpu.wait_dma2 semaphore(%run_scoped3A : memref<!tpu.dma_semaphore, #tpu.memory_space<semaphore_mem>>) src(%dma_wait3A_218 : memref<125x128xf32, #tpu.memory_space<hbm>>) dst(%dma_wait3A_216 : memref<125x128xf32, #tpu.memory_space<vmem_shared>>)
        tpu.yield
      }) : () -> ()
    } else {
    }
    %ge3A = arith.constant 8 : i32
    %ge3A_5 = arith.cmpi sge, %arg1, %ge3A : i32
    %convert_element_type3A_6 = arith.extui %ge3A_5 : i1 to i32
    %cond3A_7 = arith.constant 0 : i32
    %cond3A_8 = arith.cmpi ne, %convert_element_type3A_6, %cond3A_7 : i32
    scf.if %cond3A_8 {
      %sub3A = arith.constant 8 : i32
      %sub3A_209 = arith.subi %arg1, %sub3A : i32
      %mul3A_210 = arith.constant 125 : i32
      %mul3A_211 = arith.muli %sub3A_209, %mul3A_210 : i32
      "tpu.region"() ({
        %run_scoped3A = tpu.sem_alloc : memref<!tpu.dma_semaphore, #tpu.memory_space<semaphore_mem>>
        %dma_start3A_212 = arith.constant 0 : i32
        %dma_start3A_213 = tpu.memref_slice %arg22[%mul3A_211, %dma_start3A_212] : memref<1000x128xf32, #tpu.memory_space<vmem_shared>> -> memref<125x128xf32, #tpu.memory_space<vmem_shared>>
        %dma_start3A_214 = arith.constant 0 : i32
        %dma_start3A_215 = tpu.memref_slice %arg5[%mul3A_211, %dma_start3A_214] : memref<1000x128xf32, #tpu.memory_space<hbm>> -> memref<125x128xf32, #tpu.memory_space<hbm>>
        tpu.enqueue_dma source(%dma_start3A_215 : memref<125x128xf32, #tpu.memory_space<hbm>>) target(%dma_start3A_213 : memref<125x128xf32, #tpu.memory_space<vmem_shared>>) target_semaphore(%run_scoped3A : memref<!tpu.dma_semaphore, #tpu.memory_space<semaphore_mem>>)
        %dma_wait3A_216 = arith.constant 0 : i32
        %dma_wait3A_217 = tpu.memref_slice %arg22[%mul3A_211, %dma_wait3A_216] : memref<1000x128xf32, #tpu.memory_space<vmem_shared>> -> memref<125x128xf32, #tpu.memory_space<vmem_shared>>
        %dma_wait3A_218 = arith.constant 0 : i32
        %dma_wait3A_219 = tpu.memref_slice %arg5[%mul3A_211, %dma_wait3A_218] : memref<1000x128xf32, #tpu.memory_space<hbm>> -> memref<125x128xf32, #tpu.memory_space<hbm>>
        tpu.wait_dma2 semaphore(%run_scoped3A : memref<!tpu.dma_semaphore, #tpu.memory_space<semaphore_mem>>) src(%dma_wait3A_219 : memref<125x128xf32, #tpu.memory_space<hbm>>) dst(%dma_wait3A_217 : memref<125x128xf32, #tpu.memory_space<vmem_shared>>)
        tpu.yield
      }) : () -> ()
    } else {
    }
    "tpu.region"() ({
      %run_scoped3A = tpu.sem_alloc : memref<!tpu.dma_semaphore, #tpu.memory_space<semaphore_mem>>
      %dma_start3A_209 = tpu.memref_slice %arg2[%mul3A_2] : memref<16384xi32, #tpu.memory_space<hbm>> -> memref<512xi32, #tpu.memory_space<hbm>>
      %dma_start3A_210 = tpu.memref_slice %arg2[%mul3A_2] : memref<16384xi32, #tpu.memory_space<hbm>> -> memref<512xi32, #tpu.memory_space<hbm>>
      tpu.enqueue_dma source(%dma_start3A_210 : memref<512xi32, #tpu.memory_space<hbm>>) target(%arg10 : memref<512xi32, #tpu.memory_space<vmem>>) target_semaphore(%run_scoped3A : memref<!tpu.dma_semaphore, #tpu.memory_space<semaphore_mem>>)
      %dma_wait3A_211 = tpu.memref_slice %arg2[%mul3A_2] : memref<16384xi32, #tpu.memory_space<hbm>> -> memref<512xi32, #tpu.memory_space<hbm>>
      %dma_wait3A_212 = tpu.memref_slice %arg2[%mul3A_2] : memref<16384xi32, #tpu.memory_space<hbm>> -> memref<512xi32, #tpu.memory_space<hbm>>
      tpu.wait_dma2 semaphore(%run_scoped3A : memref<!tpu.dma_semaphore, #tpu.memory_space<semaphore_mem>>) src(%dma_wait3A_212 : memref<512xi32, #tpu.memory_space<hbm>>) dst(%arg10 : memref<512xi32, #tpu.memory_space<vmem>>)
      tpu.yield
    }) : () -> ()
    "tpu.region"() ({
      %run_scoped3A = tpu.sem_alloc : memref<!tpu.dma_semaphore, #tpu.memory_space<semaphore_mem>>
      %dma_start3A_209 = tpu.memref_slice %arg3[%mul3A_2] : memref<16384xi32, #tpu.memory_space<hbm>> -> memref<512xi32, #tpu.memory_space<hbm>>
      %dma_start3A_210 = tpu.memref_slice %arg3[%mul3A_2] : memref<16384xi32, #tpu.memory_space<hbm>> -> memref<512xi32, #tpu.memory_space<hbm>>
      tpu.enqueue_dma source(%dma_start3A_210 : memref<512xi32, #tpu.memory_space<hbm>>) target(%arg11 : memref<512xi32, #tpu.memory_space<vmem>>) target_semaphore(%run_scoped3A : memref<!tpu.dma_semaphore, #tpu.memory_space<semaphore_mem>>)
      %dma_wait3A_211 = tpu.memref_slice %arg3[%mul3A_2] : memref<16384xi32, #tpu.memory_space<hbm>> -> memref<512xi32, #tpu.memory_space<hbm>>
      %dma_wait3A_212 = tpu.memref_slice %arg3[%mul3A_2] : memref<16384xi32, #tpu.memory_space<hbm>> -> memref<512xi32, #tpu.memory_space<hbm>>
      tpu.wait_dma2 semaphore(%run_scoped3A : memref<!tpu.dma_semaphore, #tpu.memory_space<semaphore_mem>>) src(%dma_wait3A_212 : memref<512xi32, #tpu.memory_space<hbm>>) dst(%arg11 : memref<512xi32, #tpu.memory_space<vmem>>)
      tpu.yield
    }) : () -> ()
    %scan3A = arith.constant 0 : i32
    %scan3A_9 = arith.constant 0 : i32
    %scan3A_10 = arith.constant 32 : i32
    %scan3A_11 = arith.addi %scan3A_9, %scan3A_10 : i32
    %scan3A_12 = arith.constant 1 : i32
    %scan3A_13 = scf.for %scan3A_209 = %scan3A_9 to %scan3A_11 step %scan3A_12 iter_args(%scan3A_210 = %scan3A) -> (i32)  : i32 {
      %mul3A_211 = arith.constant 16 : i32
      %mul3A_212 = arith.muli %scan3A_209, %mul3A_211 : i32
      %get3A = arith.index_cast %mul3A_212 : i32 to index
      %get3A_213 = tpu.vector_load %arg10[%get3A] {strides = array<i32>} : memref<512xi32, #tpu.memory_space<vmem>>, vector<16xi32>,
      %mul3A_214 = arith.constant 1000 : i32
      %mul3A_215 = vector.broadcast %mul3A_214 : i32 to vector<16xi32>
      %mul3A_216 = arith.muli %get3A_213, %mul3A_215 : vector<16xi32>
      %get3A_217 = arith.index_cast %mul3A_212 : i32 to index
      %get3A_218 = tpu.vector_load %arg11[%get3A_217] {strides = array<i32>} : memref<512xi32, #tpu.memory_space<vmem>>, vector<16xi32>,
      %add3A_219 = arith.addi %mul3A_216, %get3A_218 : vector<16xi32>
      %swap3A_220 = arith.index_cast %mul3A_212 : i32 to index
      %swap3A_221 = tpu.vector_load %arg12[%swap3A_220] {strides = array<i32>} : memref<512xi32, #tpu.memory_space<vmem>>, vector<16xi32>,
      tpu.vector_store %arg12[%swap3A_220], %add3A_219 {strides = array<i32>} : memref<512xi32, #tpu.memory_space<vmem>>, vector<16xi32>,
      %scan3A_222 = arith.constant 0 : i32
      scf.yield %scan3A_222 : i32
    }
    %scan3A_14 = arith.constant 32 : i32
    %dma_start3A = arith.constant 0 : i32
    %dma_start3A_15 = tpu.memref_slice %arg8[%dma_start3A] : memref<1000000xf32, #tpu.memory_space<hbm>> -> memref<1000000xf32, #tpu.memory_space<hbm>>
    tpu.enqueue_indirect_dma source(%dma_start3A_15 : memref<1000000xf32, #tpu.memory_space<hbm>>) target(%arg15 : memref<512xf32, #tpu.memory_space<vmem>>) offsets(%arg12 : memref<512xi32, #tpu.memory_space<vmem>>) semaphore(%arg25 : memref<!tpu.dma_semaphore, #tpu.memory_space<semaphore_mem>>)
    %barrier3A = arith.constant 0 : index
    tpu.barrier barrier_id(%barrier3A)
    %dma_start3A_16 = arith.constant 0 : i32
    %dma_start3A_17 = arith.constant 0 : i32
    %dma_start3A_18 = arith.constant 0 : i32
    %dma_start3A_19 = tpu.memref_slice %arg18[%dma_start3A_16, %dma_start3A_17, %dma_start3A_18] : memref<2x128x128xf32, #tpu.memory_space<vmem>> -> memref<1x128x128xf32, #tpu.memory_space<vmem>>
    %dma_start3A_20 = tpu.memref_squeeze %dma_start3A_19 : memref<1x128x128xf32, #tpu.memory_space<vmem>> -> memref<128x128xf32, #tpu.memory_space<vmem>>
    %dma_start3A_21 = arith.constant 0 : i32
    %dma_start3A_22 = tpu.memref_slice %arg10[%dma_start3A_21] : memref<512xi32, #tpu.memory_space<vmem>> -> memref<128xi32, #tpu.memory_space<vmem>>
    %dma_start3A_23 = arith.constant 0 : i32
    %dma_start3A_24 = arith.constant 0 : i32
    %dma_start3A_25 = tpu.memref_slice %arg21[%dma_start3A_23, %dma_start3A_24] : memref<1000x128xf32, #tpu.memory_space<vmem_shared>> -> memref<1000x128xf32, #tpu.memory_space<vmem_shared>>
    tpu.enqueue_indirect_dma source(%dma_start3A_25 : memref<1000x128xf32, #tpu.memory_space<vmem_shared>>) target(%dma_start3A_20 : memref<128x128xf32, #tpu.memory_space<vmem>>) offsets(%dma_start3A_22 : memref<128xi32, #tpu.memory_space<vmem>>) semaphore(%arg26 : memref<!tpu.dma_semaphore, #tpu.memory_space<semaphore_mem>>)
    %dma_start3A_26 = arith.constant 0 : i32
    %dma_start3A_27 = arith.constant 0 : i32
    %dma_start3A_28 = arith.constant 0 : i32
    %dma_start3A_29 = tpu.memref_slice %arg19[%dma_start3A_26, %dma_start3A_27, %dma_start3A_28] : memref<2x128x128xf32, #tpu.memory_space<vmem>> -> memref<1x128x128xf32, #tpu.memory_space<vmem>>
    %dma_start3A_30 = tpu.memref_squeeze %dma_start3A_29 : memref<1x128x128xf32, #tpu.memory_space<vmem>> -> memref<128x128xf32, #tpu.memory_space<vmem>>
    %dma_start3A_31 = arith.constant 0 : i32
    %dma_start3A_32 = tpu.memref_slice %arg11[%dma_start3A_31] : memref<512xi32, #tpu.memory_space<vmem>> -> memref<128xi32, #tpu.memory_space<vmem>>
    %dma_start3A_33 = arith.constant 0 : i32
    %dma_start3A_34 = arith.constant 0 : i32
    %dma_start3A_35 = tpu.memref_slice %arg22[%dma_start3A_33, %dma_start3A_34] : memref<1000x128xf32, #tpu.memory_space<vmem_shared>> -> memref<1000x128xf32, #tpu.memory_space<vmem_shared>>
    tpu.enqueue_indirect_dma source(%dma_start3A_35 : memref<1000x128xf32, #tpu.memory_space<vmem_shared>>) target(%dma_start3A_30 : memref<128x128xf32, #tpu.memory_space<vmem>>) offsets(%dma_start3A_32 : memref<128xi32, #tpu.memory_space<vmem>>) semaphore(%arg28 : memref<!tpu.dma_semaphore, #tpu.memory_space<semaphore_mem>>)
    %dma_start3A_36 = arith.constant 1 : i32
    %dma_start3A_37 = arith.constant 0 : i32
    %dma_start3A_38 = arith.constant 0 : i32
    %dma_start3A_39 = tpu.memref_slice %arg18[%dma_start3A_36, %dma_start3A_37, %dma_start3A_38] : memref<2x128x128xf32, #tpu.memory_space<vmem>> -> memref<1x128x128xf32, #tpu.memory_space<vmem>>
    %dma_start3A_40 = tpu.memref_squeeze %dma_start3A_39 : memref<1x128x128xf32, #tpu.memory_space<vmem>> -> memref<128x128xf32, #tpu.memory_space<vmem>>
    %dma_start3A_41 = arith.constant 128 : i32
    %dma_start3A_42 = tpu.memref_slice %arg10[%dma_start3A_41] : memref<512xi32, #tpu.memory_space<vmem>> -> memref<128xi32, #tpu.memory_space<vmem>>
    %dma_start3A_43 = arith.constant 0 : i32
    %dma_start3A_44 = arith.constant 0 : i32
    %dma_start3A_45 = tpu.memref_slice %arg21[%dma_start3A_43, %dma_start3A_44] : memref<1000x128xf32, #tpu.memory_space<vmem_shared>> -> memref<1000x128xf32, #tpu.memory_space<vmem_shared>>
    tpu.enqueue_indirect_dma source(%dma_start3A_45 : memref<1000x128xf32, #tpu.memory_space<vmem_shared>>) target(%dma_start3A_40 : memref<128x128xf32, #tpu.memory_space<vmem>>) offsets(%dma_start3A_42 : memref<128xi32, #tpu.memory_space<vmem>>) semaphore(%arg27 : memref<!tpu.dma_semaphore, #tpu.memory_space<semaphore_mem>>)
    %dma_start3A_46 = arith.constant 1 : i32
    %dma_start3A_47 = arith.constant 0 : i32
    %dma_start3A_48 = arith.constant 0 : i32
    %dma_start3A_49 = tpu.memref_slice %arg19[%dma_start3A_46, %dma_start3A_47, %dma_start3A_48] : memref<2x128x128xf32, #tpu.memory_space<vmem>> -> memref<1x128x128xf32, #tpu.memory_space<vmem>>
    %dma_start3A_50 = tpu.memref_squeeze %dma_start3A_49 : memref<1x128x128xf32, #tpu.memory_space<vmem>> -> memref<128x128xf32, #tpu.memory_space<vmem>>
    %dma_start3A_51 = arith.constant 128 : i32
    %dma_start3A_52 = tpu.memref_slice %arg11[%dma_start3A_51] : memref<512xi32, #tpu.memory_space<vmem>> -> memref<128xi32, #tpu.memory_space<vmem>>
    %dma_start3A_53 = arith.constant 0 : i32
    %dma_start3A_54 = arith.constant 0 : i32
    %dma_start3A_55 = tpu.memref_slice %arg22[%dma_start3A_53, %dma_start3A_54] : memref<1000x128xf32, #tpu.memory_space<vmem_shared>> -> memref<1000x128xf32, #tpu.memory_space<vmem_shared>>
    tpu.enqueue_indirect_dma source(%dma_start3A_55 : memref<1000x128xf32, #tpu.memory_space<vmem_shared>>) target(%dma_start3A_50 : memref<128x128xf32, #tpu.memory_space<vmem>>) offsets(%dma_start3A_52 : memref<128xi32, #tpu.memory_space<vmem>>) semaphore(%arg29 : memref<!tpu.dma_semaphore, #tpu.memory_space<semaphore_mem>>)
    tpu.wait_dma2 semaphore(%arg23 : memref<!tpu.dma_semaphore, #tpu.memory_space<semaphore_mem>>) src(%arg6 : memref<1000xf32, #tpu.memory_space<hbm>>) dst(%arg13 : memref<1000xf32, #tpu.memory_space<vmem>>)
    tpu.wait_dma2 semaphore(%arg24 : memref<!tpu.dma_semaphore, #tpu.memory_space<semaphore_mem>>) src(%arg7 : memref<1000xf32, #tpu.memory_space<hbm>>) dst(%arg14 : memref<1000xf32, #tpu.memory_space<vmem>>)
    %dma_wait3A = arith.constant 0 : i32
    %dma_wait3A_56 = tpu.memref_slice %arg8[%dma_wait3A] : memref<1000000xf32, #tpu.memory_space<hbm>> -> memref<1000000xf32, #tpu.memory_space<hbm>>
    tpu.wait_indirect_dma semaphore(%arg25 : memref<!tpu.dma_semaphore, #tpu.memory_space<semaphore_mem>>) src(%dma_wait3A_56 : memref<1000000xf32, #tpu.memory_space<hbm>>) dst(%arg15 : memref<512xf32, #tpu.memory_space<vmem>>)
    %scan3A_57 = arith.constant 0 : i32
    %scan3A_58 = arith.constant 0 : i32
    %scan3A_59 = arith.constant 32 : i32
    %scan3A_60 = arith.addi %scan3A_58, %scan3A_59 : i32
    %scan3A_61 = arith.constant 1 : i32
    %scan3A_62 = scf.for %scan3A_209 = %scan3A_58 to %scan3A_60 step %scan3A_61 iter_args(%scan3A_210 = %scan3A_57) -> (i32)  : i32 {
      %mul3A_211 = arith.constant 16 : i32
      %mul3A_212 = arith.muli %scan3A_209, %mul3A_211 : i32
      %get3A = arith.index_cast %mul3A_212 : i32 to index
      %get3A_213 = tpu.vector_load %arg15[%get3A] {strides = array<i32>} : memref<512xf32, #tpu.memory_space<vmem>>, vector<16xf32>,
      %bitcast3A = vector.bitcast %get3A_213 : vector<16xf32> to vector<16xi32>
      %shift_right_arithmetic3A = arith.constant 23 : i32
      %shift_right_arithmetic3A_214 = vector.broadcast %shift_right_arithmetic3A : i32 to vector<16xi32>
      %shift_right_arithmetic3A_215 = arith.shrsi %bitcast3A, %shift_right_arithmetic3A_214 : vector<16xi32>
      %and3A = arith.constant 255 : i32
      %and3A_216 = vector.broadcast %and3A : i32 to vector<16xi32>
      %and3A_217 = arith.andi %shift_right_arithmetic3A_215, %and3A_216 : vector<16xi32>
      %sub3A = arith.constant 127 : i32
      %sub3A_218 = vector.broadcast %sub3A : i32 to vector<16xi32>
      %sub3A_219 = arith.subi %and3A_217, %sub3A_218 : vector<16xi32>
      %and3A_220 = arith.constant 8388607 : i32
      %and3A_221 = vector.broadcast %and3A_220 : i32 to vector<16xi32>
      %and3A_222 = arith.andi %bitcast3A, %and3A_221 : vector<16xi32>
      %or3A = arith.constant 1065353216 : i32
      %or3A_223 = vector.broadcast %or3A : i32 to vector<16xi32>
      %or3A_224 = arith.ori %and3A_222, %or3A_223 : vector<16xi32>
      %bitcast3A_225 = vector.bitcast %or3A_224 : vector<16xi32> to vector<16xf32>
      %gt3A = arith.constant 1.33333337 : f32
      %gt3A_226 = vector.broadcast %gt3A : f32 to vector<16xf32>
      %gt3A_227 = arith.cmpf ogt, %bitcast3A_225, %gt3A_226 : vector<16xf32>
      %mul3A_228 = arith.constant 5.000000e-01 : f32
      %mul3A_229 = vector.broadcast %mul3A_228 : f32 to vector<16xf32>
      %mul3A_230 = arith.mulf %bitcast3A_225, %mul3A_229 : vector<16xf32>
      %select_n3A = arith.select %gt3A_227, %mul3A_230, %bitcast3A_225 : vector<16xi1>, vector<16xf32>
      %jit3A = arith.constant 1 : i32
      %jit3A_231 = arith.constant 0 : i32
      %broadcast_in_dim3A_232 = vector.broadcast %jit3A : i32 to vector<16xi32>
      %broadcast_in_dim3A_233 = vector.broadcast %jit3A_231 : i32 to vector<16xi32>
      %select_n3A_234 = arith.select %gt3A_227, %broadcast_in_dim3A_232, %broadcast_in_dim3A_233 : vector<16xi1>, vector<16xi32>
      %add3A_235 = arith.addi %sub3A_219, %select_n3A_234 : vector<16xi32>
      %convert_element_type3A_236 = arith.sitofp %add3A_235 : vector<16xi32> to vector<16xf32>
      %sub3A_237 = arith.constant 1.000000e+00 : f32
      %sub3A_238 = vector.broadcast %sub3A_237 : f32 to vector<16xf32>
      %sub3A_239 = arith.subf %select_n3A, %sub3A_238 : vector<16xf32>
      %add3A_240 = arith.constant 1.000000e+00 : f32
      %add3A_241 = vector.broadcast %add3A_240 : f32 to vector<16xf32>
      %add3A_242 = arith.addf %select_n3A, %add3A_241 : vector<16xf32>
      %div3A = arith.divf %sub3A_239, %add3A_242 : vector<16xf32>
      %mul3A_243 = arith.mulf %div3A, %div3A : vector<16xf32>
      %mul3A_244 = arith.constant 2.000000e+00 : f32
      %mul3A_245 = vector.broadcast %mul3A_244 : f32 to vector<16xf32>
      %mul3A_246 = arith.mulf %mul3A_245, %div3A : vector<16xf32>
      %mul3A_247 = arith.constant 0.142857149 : f32
      %mul3A_248 = vector.broadcast %mul3A_247 : f32 to vector<16xf32>
      %mul3A_249 = arith.mulf %mul3A_243, %mul3A_248 : vector<16xf32>
      %add3A_250 = arith.constant 2.000000e-01 : f32
      %add3A_251 = vector.broadcast %add3A_250 : f32 to vector<16xf32>
      %add3A_252 = arith.addf %add3A_251, %mul3A_249 : vector<16xf32>
      %mul3A_253 = arith.mulf %mul3A_243, %add3A_252 : vector<16xf32>
      %add3A_254 = arith.constant 0.333333343 : f32
      %add3A_255 = vector.broadcast %add3A_254 : f32 to vector<16xf32>
      %add3A_256 = arith.addf %add3A_255, %mul3A_253 : vector<16xf32>
      %mul3A_257 = arith.mulf %mul3A_243, %add3A_256 : vector<16xf32>
      %add3A_258 = arith.constant 1.000000e+00 : f32
      %add3A_259 = vector.broadcast %add3A_258 : f32 to vector<16xf32>
      %add3A_260 = arith.addf %add3A_259, %mul3A_257 : vector<16xf32>
      %mul3A_261 = arith.mulf %mul3A_246, %add3A_260 : vector<16xf32>
      %mul3A_262 = arith.constant 0.693147182 : f32
      %mul3A_263 = vector.broadcast %mul3A_262 : f32 to vector<16xf32>
      %mul3A_264 = arith.mulf %convert_element_type3A_236, %mul3A_263 : vector<16xf32>
      %add3A_265 = arith.addf %mul3A_264, %mul3A_261 : vector<16xf32>
      %mul3A_266 = arith.constant 7.500000e-01 : f32
      %mul3A_267 = vector.broadcast %mul3A_266 : f32 to vector<16xf32>
      %mul3A_268 = arith.mulf %mul3A_267, %add3A_265 : vector<16xf32>
      %sub3A_269 = arith.constant 3.45387769 : f32
      %sub3A_270 = vector.broadcast %sub3A_269 : f32 to vector<16xf32>
      %sub3A_271 = arith.subf %mul3A_268, %sub3A_270 : vector<16xf32>
      %exp3A = math.exp %sub3A_271 : vector<16xf32>
      %min3A = arith.constant 1.000000e+00 : f32
      %min3A_272 = vector.broadcast %min3A : f32 to vector<16xf32>
      %min3A_273 = arith.minimumf %exp3A, %min3A_272 : vector<16xf32>
      %get3A_274 = arith.index_cast %mul3A_212 : i32 to index
      %get3A_275 = tpu.vector_load %arg10[%get3A_274] {strides = array<i32>} : memref<512xi32, #tpu.memory_space<vmem>>, vector<16xi32>,
      %gather3A = tpu.vector_load_idx %arg13[%get3A_275] : memref<1000xf32, #tpu.memory_space<vmem>>[vector<16xi32>], vector<16xf32>,
      %get3A_276 = arith.index_cast %mul3A_212 : i32 to index
      %get3A_277 = tpu.vector_load %arg11[%get3A_276] {strides = array<i32>} : memref<512xi32, #tpu.memory_space<vmem>>, vector<16xi32>,
      %gather3A_278 = tpu.vector_load_idx %arg14[%get3A_277] : memref<1000xf32, #tpu.memory_space<vmem>>[vector<16xi32>], vector<16xf32>,
      %add3A_279 = arith.addf %gather3A, %gather3A_278 : vector<16xf32>
      %sub3A_280 = arith.subf %add3A_279, %add3A_265 : vector<16xf32>
      %swap3A_281 = arith.index_cast %mul3A_212 : i32 to index
      %swap3A_282 = tpu.vector_load %arg16[%swap3A_281] {strides = array<i32>} : memref<512xf32, #tpu.memory_space<vmem>>, vector<16xf32>,
      tpu.vector_store %arg16[%swap3A_281], %sub3A_280 {strides = array<i32>} : memref<512xf32, #tpu.memory_space<vmem>>, vector<16xf32>,
      %swap3A_283 = arith.index_cast %mul3A_212 : i32 to index
      %swap3A_284 = tpu.vector_load %arg17[%swap3A_283] {strides = array<i32>} : memref<512xf32, #tpu.memory_space<vmem>>, vector<16xf32>,
      tpu.vector_store %arg17[%swap3A_283], %min3A_273 {strides = array<i32>} : memref<512xf32, #tpu.memory_space<vmem>>, vector<16xf32>,
      %scan3A_285 = arith.constant 0 : i32
      scf.yield %scan3A_285 : i32
    }
    %scan3A_63 = arith.constant 32 : i32
    %broadcast_in_dim3A = arith.constant 0.000000e+00 : f32
    %broadcast_in_dim3A_64 = vector.broadcast %broadcast_in_dim3A : f32 to vector<16xf32>
    %dma_wait3A_65 = arith.constant 0 : i32
    %dma_wait3A_66 = arith.constant 0 : i32
    %dma_wait3A_67 = arith.constant 0 : i32
    %dma_wait3A_68 = tpu.memref_slice %arg18[%dma_wait3A_65, %dma_wait3A_66, %dma_wait3A_67] : memref<2x128x128xf32, #tpu.memory_space<vmem>> -> memref<1x128x128xf32, #tpu.memory_space<vmem>>
    %dma_wait3A_69 = tpu.memref_squeeze %dma_wait3A_68 : memref<1x128x128xf32, #tpu.memory_space<vmem>> -> memref<128x128xf32, #tpu.memory_space<vmem>>
    %dma_wait3A_70 = arith.constant 0 : i32
    %dma_wait3A_71 = tpu.memref_slice %arg10[%dma_wait3A_70] : memref<512xi32, #tpu.memory_space<vmem>> -> memref<128xi32, #tpu.memory_space<vmem>>
    %dma_wait3A_72 = arith.constant 0 : i32
    %dma_wait3A_73 = arith.constant 0 : i32
    %dma_wait3A_74 = tpu.memref_slice %arg21[%dma_wait3A_72, %dma_wait3A_73] : memref<1000x128xf32, #tpu.memory_space<vmem_shared>> -> memref<1000x128xf32, #tpu.memory_space<vmem_shared>>
    tpu.wait_indirect_dma semaphore(%arg26 : memref<!tpu.dma_semaphore, #tpu.memory_space<semaphore_mem>>) src(%dma_wait3A_74 : memref<1000x128xf32, #tpu.memory_space<vmem_shared>>) dst(%dma_wait3A_69 : memref<128x128xf32, #tpu.memory_space<vmem>>)
    %dma_wait3A_75 = arith.constant 0 : i32
    %dma_wait3A_76 = arith.constant 0 : i32
    %dma_wait3A_77 = arith.constant 0 : i32
    %dma_wait3A_78 = tpu.memref_slice %arg19[%dma_wait3A_75, %dma_wait3A_76, %dma_wait3A_77] : memref<2x128x128xf32, #tpu.memory_space<vmem>> -> memref<1x128x128xf32, #tpu.memory_space<vmem>>
    %dma_wait3A_79 = tpu.memref_squeeze %dma_wait3A_78 : memref<1x128x128xf32, #tpu.memory_space<vmem>> -> memref<128x128xf32, #tpu.memory_space<vmem>>
    %dma_wait3A_80 = arith.constant 0 : i32
    %dma_wait3A_81 = tpu.memref_slice %arg11[%dma_wait3A_80] : memref<512xi32, #tpu.memory_space<vmem>> -> memref<128xi32, #tpu.memory_space<vmem>>
    %dma_wait3A_82 = arith.constant 0 : i32
    %dma_wait3A_83 = arith.constant 0 : i32
    %dma_wait3A_84 = tpu.memref_slice %arg22[%dma_wait3A_82, %dma_wait3A_83] : memref<1000x128xf32, #tpu.memory_space<vmem_shared>> -> memref<1000x128xf32, #tpu.memory_space<vmem_shared>>
    tpu.wait_indirect_dma semaphore(%arg28 : memref<!tpu.dma_semaphore, #tpu.memory_space<semaphore_mem>>) src(%dma_wait3A_84 : memref<1000x128xf32, #tpu.memory_space<vmem_shared>>) dst(%dma_wait3A_79 : memref<128x128xf32, #tpu.memory_space<vmem>>)
    %parallel_loop3A = arith.constant 0 : i32
    %parallel_loop3A_85 = arith.constant 128 : i32
    %parallel_loop3A_86 = arith.constant 1 : i32
    %parallel_loop3A_87 = arith.constant 0 : i32
    %parallel_loop3A_88 = arith.constant 0 : i32
    %parallel_loop3A_89 = scf.for %parallel_loop3A_209 = %parallel_loop3A to %parallel_loop3A_85 step %parallel_loop3A_86 iter_args(%parallel_loop3A_210 = %broadcast_in_dim3A_64) -> (vector<16xf32>)  : i32 {
      %parallel_loop3A_211 = arith.constant 0 : i32
      %parallel_loop3A_212 = vector.broadcast %parallel_loop3A_211 : i32 to vector<16xi32>
      %parallel_loop3A_213 = vector.broadcast %parallel_loop3A_209 : i32 to vector<16xi32>
      %parallel_loop3A_214 = arith.addi %parallel_loop3A_212, %parallel_loop3A_213 : vector<16xi32>
      %parallel_loop3A_215 = tpu.vector_load_idx %arg16[%parallel_loop3A_214] : memref<512xf32, #tpu.memory_space<vmem>>[vector<16xi32>], vector<16xf32>,
      %parallel_loop3A_216 = tpu.vector_load_idx %arg17[%parallel_loop3A_214] : memref<512xf32, #tpu.memory_space<vmem>>[vector<16xi32>], vector<16xf32>,
      %parallel_loop3A_217 = arith.constant 0 : i32
      %parallel_loop3A_218 = arith.constant 0 : i32
      %parallel_loop3A_219 = tpu.memref_slice %arg18[%parallel_loop3A_87, %parallel_loop3A_217, %parallel_loop3A_218] : memref<2x128x128xf32, #tpu.memory_space<vmem>> -> memref<1x128x128xf32, #tpu.memory_space<vmem>>
      %parallel_loop3A_220 = tpu.memref_squeeze %parallel_loop3A_219 : memref<1x128x128xf32, #tpu.memory_space<vmem>> -> memref<128x128xf32, #tpu.memory_space<vmem>>
      %parallel_loop3A_221 = arith.index_cast %parallel_loop3A_209 : i32 to index
      %parallel_loop3A_222 = arith.constant 0 : index
      %parallel_loop3A_223 = tpu.vector_load %parallel_loop3A_220[%parallel_loop3A_221, %parallel_loop3A_222] {strides = array<i32>} : memref<128x128xf32, #tpu.memory_space<vmem>>, vector<16xf32>,
      %parallel_loop3A_224 = arith.constant 0 : i32
      %parallel_loop3A_225 = arith.constant 0 : i32
      %parallel_loop3A_226 = tpu.memref_slice %arg19[%parallel_loop3A_88, %parallel_loop3A_224, %parallel_loop3A_225] : memref<2x128x128xf32, #tpu.memory_space<vmem>> -> memref<1x128x128xf32, #tpu.memory_space<vmem>>
      %parallel_loop3A_227 = tpu.memref_squeeze %parallel_loop3A_226 : memref<1x128x128xf32, #tpu.memory_space<vmem>> -> memref<128x128xf32, #tpu.memory_space<vmem>>
      %parallel_loop3A_228 = arith.index_cast %parallel_loop3A_209 : i32 to index
      %parallel_loop3A_229 = arith.constant 0 : index
      %parallel_loop3A_230 = tpu.vector_load %parallel_loop3A_227[%parallel_loop3A_228, %parallel_loop3A_229] {strides = array<i32>} : memref<128x128xf32, #tpu.memory_space<vmem>>, vector<16xf32>,
      %parallel_loop3A_231 = arith.mulf %parallel_loop3A_223, %parallel_loop3A_230 : vector<16xf32>
      %parallel_loop3A_232 = arith.addf %parallel_loop3A_231, %parallel_loop3A_215 : vector<16xf32>
      %parallel_loop3A_233 = arith.mulf %parallel_loop3A_216, %parallel_loop3A_232 : vector<16xf32>
      %parallel_loop3A_234 = arith.mulf %parallel_loop3A_233, %parallel_loop3A_232 : vector<16xf32>
      %parallel_loop3A_235 = arith.constant 0 : i32
      %parallel_loop3A_236 = arith.constant 0 : i32
      %parallel_loop3A_237 = tpu.memref_slice %arg18[%parallel_loop3A_87, %parallel_loop3A_235, %parallel_loop3A_236] : memref<2x128x128xf32, #tpu.memory_space<vmem>> -> memref<1x128x128xf32, #tpu.memory_space<vmem>>
      %parallel_loop3A_238 = tpu.memref_squeeze %parallel_loop3A_237 : memref<1x128x128xf32, #tpu.memory_space<vmem>> -> memref<128x128xf32, #tpu.memory_space<vmem>>
      %parallel_loop3A_239 = arith.index_cast %parallel_loop3A_209 : i32 to index
      %parallel_loop3A_240 = arith.constant 16 : index
      %parallel_loop3A_241 = tpu.vector_load %parallel_loop3A_238[%parallel_loop3A_239, %parallel_loop3A_240] {strides = array<i32>} : memref<128x128xf32, #tpu.memory_space<vmem>>, vector<16xf32>,
      %parallel_loop3A_242 = arith.constant 0 : i32
      %parallel_loop3A_243 = arith.constant 0 : i32
      %parallel_loop3A_244 = tpu.memref_slice %arg19[%parallel_loop3A_88, %parallel_loop3A_242, %parallel_loop3A_243] : memref<2x128x128xf32, #tpu.memory_space<vmem>> -> memref<1x128x128xf32, #tpu.memory_space<vmem>>
      %parallel_loop3A_245 = tpu.memref_squeeze %parallel_loop3A_244 : memref<1x128x128xf32, #tpu.memory_space<vmem>> -> memref<128x128xf32, #tpu.memory_space<vmem>>
      %parallel_loop3A_246 = arith.index_cast %parallel_loop3A_209 : i32 to index
      %parallel_loop3A_247 = arith.constant 16 : index
      %parallel_loop3A_248 = tpu.vector_load %parallel_loop3A_245[%parallel_loop3A_246, %parallel_loop3A_247] {strides = array<i32>} : memref<128x128xf32, #tpu.memory_space<vmem>>, vector<16xf32>,
      %parallel_loop3A_249 = arith.mulf %parallel_loop3A_241, %parallel_loop3A_248 : vector<16xf32>
      %parallel_loop3A_250 = arith.addf %parallel_loop3A_249, %parallel_loop3A_215 : vector<16xf32>
      %parallel_loop3A_251 = arith.mulf %parallel_loop3A_216, %parallel_loop3A_250 : vector<16xf32>
      %parallel_loop3A_252 = arith.mulf %parallel_loop3A_251, %parallel_loop3A_250 : vector<16xf32>
      %parallel_loop3A_253 = arith.constant 0 : i32
      %parallel_loop3A_254 = arith.constant 0 : i32
      %parallel_loop3A_255 = tpu.memref_slice %arg18[%parallel_loop3A_87, %parallel_loop3A_253, %parallel_loop3A_254] : memref<2x128x128xf32, #tpu.memory_space<vmem>> -> memref<1x128x128xf32, #tpu.memory_space<vmem>>
      %parallel_loop3A_256 = tpu.memref_squeeze %parallel_loop3A_255 : memref<1x128x128xf32, #tpu.memory_space<vmem>> -> memref<128x128xf32, #tpu.memory_space<vmem>>
      %parallel_loop3A_257 = arith.index_cast %parallel_loop3A_209 : i32 to index
      %parallel_loop3A_258 = arith.constant 32 : index
      %parallel_loop3A_259 = tpu.vector_load %parallel_loop3A_256[%parallel_loop3A_257, %parallel_loop3A_258] {strides = array<i32>} : memref<128x128xf32, #tpu.memory_space<vmem>>, vector<16xf32>,
      %parallel_loop3A_260 = arith.constant 0 : i32
      %parallel_loop3A_261 = arith.constant 0 : i32
      %parallel_loop3A_262 = tpu.memref_slice %arg19[%parallel_loop3A_88, %parallel_loop3A_260, %parallel_loop3A_261] : memref<2x128x128xf32, #tpu.memory_space<vmem>> -> memref<1x128x128xf32, #tpu.memory_space<vmem>>
      %parallel_loop3A_263 = tpu.memref_squeeze %parallel_loop3A_262 : memref<1x128x128xf32, #tpu.memory_space<vmem>> -> memref<128x128xf32, #tpu.memory_space<vmem>>
      %parallel_loop3A_264 = arith.index_cast %parallel_loop3A_209 : i32 to index
      %parallel_loop3A_265 = arith.constant 32 : index
      %parallel_loop3A_266 = tpu.vector_load %parallel_loop3A_263[%parallel_loop3A_264, %parallel_loop3A_265] {strides = array<i32>} : memref<128x128xf32, #tpu.memory_space<vmem>>, vector<16xf32>,
      %parallel_loop3A_267 = arith.mulf %parallel_loop3A_259, %parallel_loop3A_266 : vector<16xf32>
      %parallel_loop3A_268 = arith.addf %parallel_loop3A_267, %parallel_loop3A_215 : vector<16xf32>
      %parallel_loop3A_269 = arith.mulf %parallel_loop3A_216, %parallel_loop3A_268 : vector<16xf32>
      %parallel_loop3A_270 = arith.mulf %parallel_loop3A_269, %parallel_loop3A_268 : vector<16xf32>
      %parallel_loop3A_271 = arith.constant 0 : i32
      %parallel_loop3A_272 = arith.constant 0 : i32
      %parallel_loop3A_273 = tpu.memref_slice %arg18[%parallel_loop3A_87, %parallel_loop3A_271, %parallel_loop3A_272] : memref<2x128x128xf32, #tpu.memory_space<vmem>> -> memref<1x128x128xf32, #tpu.memory_space<vmem>>
      %parallel_loop3A_274 = tpu.memref_squeeze %parallel_loop3A_273 : memref<1x128x128xf32, #tpu.memory_space<vmem>> -> memref<128x128xf32, #tpu.memory_space<vmem>>
      %parallel_loop3A_275 = arith.index_cast %parallel_loop3A_209 : i32 to index
      %parallel_loop3A_276 = arith.constant 48 : index
      %parallel_loop3A_277 = tpu.vector_load %parallel_loop3A_274[%parallel_loop3A_275, %parallel_loop3A_276] {strides = array<i32>} : memref<128x128xf32, #tpu.memory_space<vmem>>, vector<16xf32>,
      %parallel_loop3A_278 = arith.constant 0 : i32
      %parallel_loop3A_279 = arith.constant 0 : i32
      %parallel_loop3A_280 = tpu.memref_slice %arg19[%parallel_loop3A_88, %parallel_loop3A_278, %parallel_loop3A_279] : memref<2x128x128xf32, #tpu.memory_space<vmem>> -> memref<1x128x128xf32, #tpu.memory_space<vmem>>
      %parallel_loop3A_281 = tpu.memref_squeeze %parallel_loop3A_280 : memref<1x128x128xf32, #tpu.memory_space<vmem>> -> memref<128x128xf32, #tpu.memory_space<vmem>>
      %parallel_loop3A_282 = arith.index_cast %parallel_loop3A_209 : i32 to index
      %parallel_loop3A_283 = arith.constant 48 : index
      %parallel_loop3A_284 = tpu.vector_load %parallel_loop3A_281[%parallel_loop3A_282, %parallel_loop3A_283] {strides = array<i32>} : memref<128x128xf32, #tpu.memory_space<vmem>>, vector<16xf32>,
      %parallel_loop3A_285 = arith.mulf %parallel_loop3A_277, %parallel_loop3A_284 : vector<16xf32>
      %parallel_loop3A_286 = arith.addf %parallel_loop3A_285, %parallel_loop3A_215 : vector<16xf32>
      %parallel_loop3A_287 = arith.mulf %parallel_loop3A_216, %parallel_loop3A_286 : vector<16xf32>
      %parallel_loop3A_288 = arith.mulf %parallel_loop3A_287, %parallel_loop3A_286 : vector<16xf32>
      %parallel_loop3A_289 = arith.constant 0 : i32
      %parallel_loop3A_290 = arith.constant 0 : i32
      %parallel_loop3A_291 = tpu.memref_slice %arg18[%parallel_loop3A_87, %parallel_loop3A_289, %parallel_loop3A_290] : memref<2x128x128xf32, #tpu.memory_space<vmem>> -> memref<1x128x128xf32, #tpu.memory_space<vmem>>
      %parallel_loop3A_292 = tpu.memref_squeeze %parallel_loop3A_291 : memref<1x128x128xf32, #tpu.memory_space<vmem>> -> memref<128x128xf32, #tpu.memory_space<vmem>>
      %parallel_loop3A_293 = arith.index_cast %parallel_loop3A_209 : i32 to index
      %parallel_loop3A_294 = arith.constant 64 : index
      %parallel_loop3A_295 = tpu.vector_load %parallel_loop3A_292[%parallel_loop3A_293, %parallel_loop3A_294] {strides = array<i32>} : memref<128x128xf32, #tpu.memory_space<vmem>>, vector<16xf32>,
      %parallel_loop3A_296 = arith.constant 0 : i32
      %parallel_loop3A_297 = arith.constant 0 : i32
      %parallel_loop3A_298 = tpu.memref_slice %arg19[%parallel_loop3A_88, %parallel_loop3A_296, %parallel_loop3A_297] : memref<2x128x128xf32, #tpu.memory_space<vmem>> -> memref<1x128x128xf32, #tpu.memory_space<vmem>>
      %parallel_loop3A_299 = tpu.memref_squeeze %parallel_loop3A_298 : memref<1x128x128xf32, #tpu.memory_space<vmem>> -> memref<128x128xf32, #tpu.memory_space<vmem>>
      %parallel_loop3A_300 = arith.index_cast %parallel_loop3A_209 : i32 to index
      %parallel_loop3A_301 = arith.constant 64 : index
      %parallel_loop3A_302 = tpu.vector_load %parallel_loop3A_299[%parallel_loop3A_300, %parallel_loop3A_301] {strides = array<i32>} : memref<128x128xf32, #tpu.memory_space<vmem>>, vector<16xf32>,
      %parallel_loop3A_303 = arith.mulf %parallel_loop3A_295, %parallel_loop3A_302 : vector<16xf32>
      %parallel_loop3A_304 = arith.addf %parallel_loop3A_303, %parallel_loop3A_215 : vector<16xf32>
      %parallel_loop3A_305 = arith.mulf %parallel_loop3A_216, %parallel_loop3A_304 : vector<16xf32>
      %parallel_loop3A_306 = arith.mulf %parallel_loop3A_305, %parallel_loop3A_304 : vector<16xf32>
      %parallel_loop3A_307 = arith.constant 0 : i32
      %parallel_loop3A_308 = arith.constant 0 : i32
      %parallel_loop3A_309 = tpu.memref_slice %arg18[%parallel_loop3A_87, %parallel_loop3A_307, %parallel_loop3A_308] : memref<2x128x128xf32, #tpu.memory_space<vmem>> -> memref<1x128x128xf32, #tpu.memory_space<vmem>>
      %parallel_loop3A_310 = tpu.memref_squeeze %parallel_loop3A_309 : memref<1x128x128xf32, #tpu.memory_space<vmem>> -> memref<128x128xf32, #tpu.memory_space<vmem>>
      %parallel_loop3A_311 = arith.index_cast %parallel_loop3A_209 : i32 to index
      %parallel_loop3A_312 = arith.constant 80 : index
      %parallel_loop3A_313 = tpu.vector_load %parallel_loop3A_310[%parallel_loop3A_311, %parallel_loop3A_312] {strides = array<i32>} : memref<128x128xf32, #tpu.memory_space<vmem>>, vector<16xf32>,
      %parallel_loop3A_314 = arith.constant 0 : i32
      %parallel_loop3A_315 = arith.constant 0 : i32
      %parallel_loop3A_316 = tpu.memref_slice %arg19[%parallel_loop3A_88, %parallel_loop3A_314, %parallel_loop3A_315] : memref<2x128x128xf32, #tpu.memory_space<vmem>> -> memref<1x128x128xf32, #tpu.memory_space<vmem>>
      %parallel_loop3A_317 = tpu.memref_squeeze %parallel_loop3A_316 : memref<1x128x128xf32, #tpu.memory_space<vmem>> -> memref<128x128xf32, #tpu.memory_space<vmem>>
      %parallel_loop3A_318 = arith.index_cast %parallel_loop3A_209 : i32 to index
      %parallel_loop3A_319 = arith.constant 80 : index
      %parallel_loop3A_320 = tpu.vector_load %parallel_loop3A_317[%parallel_loop3A_318, %parallel_loop3A_319] {strides = array<i32>} : memref<128x128xf32, #tpu.memory_space<vmem>>, vector<16xf32>,
      %parallel_loop3A_321 = arith.mulf %parallel_loop3A_313, %parallel_loop3A_320 : vector<16xf32>
      %parallel_loop3A_322 = arith.addf %parallel_loop3A_321, %parallel_loop3A_215 : vector<16xf32>
      %parallel_loop3A_323 = arith.mulf %parallel_loop3A_216, %parallel_loop3A_322 : vector<16xf32>
      %parallel_loop3A_324 = arith.mulf %parallel_loop3A_323, %parallel_loop3A_322 : vector<16xf32>
      %parallel_loop3A_325 = arith.constant 0 : i32
      %parallel_loop3A_326 = arith.constant 0 : i32
      %parallel_loop3A_327 = tpu.memref_slice %arg18[%parallel_loop3A_87, %parallel_loop3A_325, %parallel_loop3A_326] : memref<2x128x128xf32, #tpu.memory_space<vmem>> -> memref<1x128x128xf32, #tpu.memory_space<vmem>>
      %parallel_loop3A_328 = tpu.memref_squeeze %parallel_loop3A_327 : memref<1x128x128xf32, #tpu.memory_space<vmem>> -> memref<128x128xf32, #tpu.memory_space<vmem>>
      %parallel_loop3A_329 = arith.index_cast %parallel_loop3A_209 : i32 to index
      %parallel_loop3A_330 = arith.constant 96 : index
      %parallel_loop3A_331 = tpu.vector_load %parallel_loop3A_328[%parallel_loop3A_329, %parallel_loop3A_330] {strides = array<i32>} : memref<128x128xf32, #tpu.memory_space<vmem>>, vector<16xf32>,
      %parallel_loop3A_332 = arith.constant 0 : i32
      %parallel_loop3A_333 = arith.constant 0 : i32
      %parallel_loop3A_334 = tpu.memref_slice %arg19[%parallel_loop3A_88, %parallel_loop3A_332, %parallel_loop3A_333] : memref<2x128x128xf32, #tpu.memory_space<vmem>> -> memref<1x128x128xf32, #tpu.memory_space<vmem>>
      %parallel_loop3A_335 = tpu.memref_squeeze %parallel_loop3A_334 : memref<1x128x128xf32, #tpu.memory_space<vmem>> -> memref<128x128xf32, #tpu.memory_space<vmem>>
      %parallel_loop3A_336 = arith.index_cast %parallel_loop3A_209 : i32 to index
      %parallel_loop3A_337 = arith.constant 96 : index
      %parallel_loop3A_338 = tpu.vector_load %parallel_loop3A_335[%parallel_loop3A_336, %parallel_loop3A_337] {strides = array<i32>} : memref<128x128xf32, #tpu.memory_space<vmem>>, vector<16xf32>,
      %parallel_loop3A_339 = arith.mulf %parallel_loop3A_331, %parallel_loop3A_338 : vector<16xf32>
      %parallel_loop3A_340 = arith.addf %parallel_loop3A_339, %parallel_loop3A_215 : vector<16xf32>
      %parallel_loop3A_341 = arith.mulf %parallel_loop3A_216, %parallel_loop3A_340 : vector<16xf32>
      %parallel_loop3A_342 = arith.mulf %parallel_loop3A_341, %parallel_loop3A_340 : vector<16xf32>
      %parallel_loop3A_343 = arith.constant 0 : i32
      %parallel_loop3A_344 = arith.constant 0 : i32
      %parallel_loop3A_345 = tpu.memref_slice %arg18[%parallel_loop3A_87, %parallel_loop3A_343, %parallel_loop3A_344] : memref<2x128x128xf32, #tpu.memory_space<vmem>> -> memref<1x128x128xf32, #tpu.memory_space<vmem>>
      %parallel_loop3A_346 = tpu.memref_squeeze %parallel_loop3A_345 : memref<1x128x128xf32, #tpu.memory_space<vmem>> -> memref<128x128xf32, #tpu.memory_space<vmem>>
      %parallel_loop3A_347 = arith.index_cast %parallel_loop3A_209 : i32 to index
      %parallel_loop3A_348 = arith.constant 112 : index
      %parallel_loop3A_349 = tpu.vector_load %parallel_loop3A_346[%parallel_loop3A_347, %parallel_loop3A_348] {strides = array<i32>} : memref<128x128xf32, #tpu.memory_space<vmem>>, vector<16xf32>,
      %parallel_loop3A_350 = arith.constant 0 : i32
      %parallel_loop3A_351 = arith.constant 0 : i32
      %parallel_loop3A_352 = tpu.memref_slice %arg19[%parallel_loop3A_88, %parallel_loop3A_350, %parallel_loop3A_351] : memref<2x128x128xf32, #tpu.memory_space<vmem>> -> memref<1x128x128xf32, #tpu.memory_space<vmem>>
      %parallel_loop3A_353 = tpu.memref_squeeze %parallel_loop3A_352 : memref<1x128x128xf32, #tpu.memory_space<vmem>> -> memref<128x128xf32, #tpu.memory_space<vmem>>
      %parallel_loop3A_354 = arith.index_cast %parallel_loop3A_209 : i32 to index
      %parallel_loop3A_355 = arith.constant 112 : index
      %parallel_loop3A_356 = tpu.vector_load %parallel_loop3A_353[%parallel_loop3A_354, %parallel_loop3A_355] {strides = array<i32>} : memref<128x128xf32, #tpu.memory_space<vmem>>, vector<16xf32>,
      %parallel_loop3A_357 = arith.mulf %parallel_loop3A_349, %parallel_loop3A_356 : vector<16xf32>
      %parallel_loop3A_358 = arith.addf %parallel_loop3A_357, %parallel_loop3A_215 : vector<16xf32>
      %parallel_loop3A_359 = arith.mulf %parallel_loop3A_216, %parallel_loop3A_358 : vector<16xf32>
      %parallel_loop3A_360 = arith.mulf %parallel_loop3A_359, %parallel_loop3A_358 : vector<16xf32>
      %parallel_loop3A_361 = arith.addf %parallel_loop3A_234, %parallel_loop3A_252 : vector<16xf32>
      %parallel_loop3A_362 = arith.addf %parallel_loop3A_270, %parallel_loop3A_288 : vector<16xf32>
      %parallel_loop3A_363 = arith.addf %parallel_loop3A_306, %parallel_loop3A_324 : vector<16xf32>
      %parallel_loop3A_364 = arith.addf %parallel_loop3A_342, %parallel_loop3A_360 : vector<16xf32>
      %parallel_loop3A_365 = arith.addf %parallel_loop3A_361, %parallel_loop3A_362 : vector<16xf32>
      %parallel_loop3A_366 = arith.addf %parallel_loop3A_363, %parallel_loop3A_364 : vector<16xf32>
      %parallel_loop3A_367 = arith.addf %parallel_loop3A_365, %parallel_loop3A_366 : vector<16xf32>
      %parallel_loop3A_368 = arith.addf %parallel_loop3A_210, %parallel_loop3A_367 : vector<16xf32>
      scf.yield %parallel_loop3A_368 : vector<16xf32>
    } {sc.loop_unroll_factor = 2 : i64, sc.parallel_access}
    %dma_start3A_90 = arith.constant 0 : i32
    %dma_start3A_91 = arith.constant 0 : i32
    %dma_start3A_92 = arith.constant 0 : i32
    %dma_start3A_93 = tpu.memref_slice %arg18[%dma_start3A_90, %dma_start3A_91, %dma_start3A_92] : memref<2x128x128xf32, #tpu.memory_space<vmem>> -> memref<1x128x128xf32, #tpu.memory_space<vmem>>
    %dma_start3A_94 = tpu.memref_squeeze %dma_start3A_93 : memref<1x128x128xf32, #tpu.memory_space<vmem>> -> memref<128x128xf32, #tpu.memory_space<vmem>>
    %dma_start3A_95 = arith.constant 256 : i32
    %dma_start3A_96 = tpu.memref_slice %arg10[%dma_start3A_95] : memref<512xi32, #tpu.memory_space<vmem>> -> memref<128xi32, #tpu.memory_space<vmem>>
    %dma_start3A_97 = arith.constant 0 : i32
    %dma_start3A_98 = arith.constant 0 : i32
    %dma_start3A_99 = tpu.memref_slice %arg21[%dma_start3A_97, %dma_start3A_98] : memref<1000x128xf32, #tpu.memory_space<vmem_shared>> -> memref<1000x128xf32, #tpu.memory_space<vmem_shared>>
    tpu.enqueue_indirect_dma source(%dma_start3A_99 : memref<1000x128xf32, #tpu.memory_space<vmem_shared>>) target(%dma_start3A_94 : memref<128x128xf32, #tpu.memory_space<vmem>>) offsets(%dma_start3A_96 : memref<128xi32, #tpu.memory_space<vmem>>) semaphore(%arg26 : memref<!tpu.dma_semaphore, #tpu.memory_space<semaphore_mem>>)
    %dma_start3A_100 = arith.constant 0 : i32
    %dma_start3A_101 = arith.constant 0 : i32
    %dma_start3A_102 = arith.constant 0 : i32
    %dma_start3A_103 = tpu.memref_slice %arg19[%dma_start3A_100, %dma_start3A_101, %dma_start3A_102] : memref<2x128x128xf32, #tpu.memory_space<vmem>> -> memref<1x128x128xf32, #tpu.memory_space<vmem>>
    %dma_start3A_104 = tpu.memref_squeeze %dma_start3A_103 : memref<1x128x128xf32, #tpu.memory_space<vmem>> -> memref<128x128xf32, #tpu.memory_space<vmem>>
    %dma_start3A_105 = arith.constant 256 : i32
    %dma_start3A_106 = tpu.memref_slice %arg11[%dma_start3A_105] : memref<512xi32, #tpu.memory_space<vmem>> -> memref<128xi32, #tpu.memory_space<vmem>>
    %dma_start3A_107 = arith.constant 0 : i32
    %dma_start3A_108 = arith.constant 0 : i32
    %dma_start3A_109 = tpu.memref_slice %arg22[%dma_start3A_107, %dma_start3A_108] : memref<1000x128xf32, #tpu.memory_space<vmem_shared>> -> memref<1000x128xf32, #tpu.memory_space<vmem_shared>>
    tpu.enqueue_indirect_dma source(%dma_start3A_109 : memref<1000x128xf32, #tpu.memory_space<vmem_shared>>) target(%dma_start3A_104 : memref<128x128xf32, #tpu.memory_space<vmem>>) offsets(%dma_start3A_106 : memref<128xi32, #tpu.memory_space<vmem>>) semaphore(%arg28 : memref<!tpu.dma_semaphore, #tpu.memory_space<semaphore_mem>>)
    %dma_wait3A_110 = arith.constant 1 : i32
    %dma_wait3A_111 = arith.constant 0 : i32
    %dma_wait3A_112 = arith.constant 0 : i32
    %dma_wait3A_113 = tpu.memref_slice %arg18[%dma_wait3A_110, %dma_wait3A_111, %dma_wait3A_112] : memref<2x128x128xf32, #tpu.memory_space<vmem>> -> memref<1x128x128xf32, #tpu.memory_space<vmem>>
    %dma_wait3A_114 = tpu.memref_squeeze %dma_wait3A_113 : memref<1x128x128xf32, #tpu.memory_space<vmem>> -> memref<128x128xf32, #tpu.memory_space<vmem>>
    %dma_wait3A_115 = arith.constant 128 : i32
    %dma_wait3A_116 = tpu.memref_slice %arg10[%dma_wait3A_115] : memref<512xi32, #tpu.memory_space<vmem>> -> memref<128xi32, #tpu.memory_space<vmem>>
    %dma_wait3A_117 = arith.constant 0 : i32
    %dma_wait3A_118 = arith.constant 0 : i32
    %dma_wait3A_119 = tpu.memref_slice %arg21[%dma_wait3A_117, %dma_wait3A_118] : memref<1000x128xf32, #tpu.memory_space<vmem_shared>> -> memref<1000x128xf32, #tpu.memory_space<vmem_shared>>
    tpu.wait_indirect_dma semaphore(%arg27 : memref<!tpu.dma_semaphore, #tpu.memory_space<semaphore_mem>>) src(%dma_wait3A_119 : memref<1000x128xf32, #tpu.memory_space<vmem_shared>>) dst(%dma_wait3A_114 : memref<128x128xf32, #tpu.memory_space<vmem>>)
    %dma_wait3A_120 = arith.constant 1 : i32
    %dma_wait3A_121 = arith.constant 0 : i32
    %dma_wait3A_122 = arith.constant 0 : i32
    %dma_wait3A_123 = tpu.memref_slice %arg19[%dma_wait3A_120, %dma_wait3A_121, %dma_wait3A_122] : memref<2x128x128xf32, #tpu.memory_space<vmem>> -> memref<1x128x128xf32, #tpu.memory_space<vmem>>
    %dma_wait3A_124 = tpu.memref_squeeze %dma_wait3A_123 : memref<1x128x128xf32, #tpu.memory_space<vmem>> -> memref<128x128xf32, #tpu.memory_space<vmem>>
    %dma_wait3A_125 = arith.constant 128 : i32
    %dma_wait3A_126 = tpu.memref_slice %arg11[%dma_wait3A_125] : memref<512xi32, #tpu.memory_space<vmem>> -> memref<128xi32, #tpu.memory_space<vmem>>
    %dma_wait3A_127 = arith.constant 0 : i32
    %dma_wait3A_128 = arith.constant 0 : i32
    %dma_wait3A_129 = tpu.memref_slice %arg22[%dma_wait3A_127, %dma_wait3A_128] : memref<1000x128xf32, #tpu.memory_space<vmem_shared>> -> memref<1000x128xf32, #tpu.memory_space<vmem_shared>>
    tpu.wait_indirect_dma semaphore(%arg29 : memref<!tpu.dma_semaphore, #tpu.memory_space<semaphore_mem>>) src(%dma_wait3A_129 : memref<1000x128xf32, #tpu.memory_space<vmem_shared>>) dst(%dma_wait3A_124 : memref<128x128xf32, #tpu.memory_space<vmem>>)
    %parallel_loop3A_130 = arith.constant 0 : i32
    %parallel_loop3A_131 = arith.constant 128 : i32
    %parallel_loop3A_132 = arith.constant 1 : i32
    %parallel_loop3A_133 = arith.constant 1 : i32
    %parallel_loop3A_134 = arith.constant 1 : i32
    %parallel_loop3A_135 = scf.for %parallel_loop3A_209 = %parallel_loop3A_130 to %parallel_loop3A_131 step %parallel_loop3A_132 iter_args(%parallel_loop3A_210 = %parallel_loop3A_89) -> (vector<16xf32>)  : i32 {
      %parallel_loop3A_211 = arith.constant 128 : i32
      %parallel_loop3A_212 = vector.broadcast %parallel_loop3A_211 : i32 to vector<16xi32>
      %parallel_loop3A_213 = vector.broadcast %parallel_loop3A_209 : i32 to vector<16xi32>
      %parallel_loop3A_214 = arith.addi %parallel_loop3A_212, %parallel_loop3A_213 : vector<16xi32>
      %parallel_loop3A_215 = tpu.vector_load_idx %arg16[%parallel_loop3A_214] : memref<512xf32, #tpu.memory_space<vmem>>[vector<16xi32>], vector<16xf32>,
      %parallel_loop3A_216 = tpu.vector_load_idx %arg17[%parallel_loop3A_214] : memref<512xf32, #tpu.memory_space<vmem>>[vector<16xi32>], vector<16xf32>,
      %parallel_loop3A_217 = arith.constant 0 : i32
      %parallel_loop3A_218 = arith.constant 0 : i32
      %parallel_loop3A_219 = tpu.memref_slice %arg18[%parallel_loop3A_133, %parallel_loop3A_217, %parallel_loop3A_218] : memref<2x128x128xf32, #tpu.memory_space<vmem>> -> memref<1x128x128xf32, #tpu.memory_space<vmem>>
      %parallel_loop3A_220 = tpu.memref_squeeze %parallel_loop3A_219 : memref<1x128x128xf32, #tpu.memory_space<vmem>> -> memref<128x128xf32, #tpu.memory_space<vmem>>
      %parallel_loop3A_221 = arith.index_cast %parallel_loop3A_209 : i32 to index
      %parallel_loop3A_222 = arith.constant 0 : index
      %parallel_loop3A_223 = tpu.vector_load %parallel_loop3A_220[%parallel_loop3A_221, %parallel_loop3A_222] {strides = array<i32>} : memref<128x128xf32, #tpu.memory_space<vmem>>, vector<16xf32>,
      %parallel_loop3A_224 = arith.constant 0 : i32
      %parallel_loop3A_225 = arith.constant 0 : i32
      %parallel_loop3A_226 = tpu.memref_slice %arg19[%parallel_loop3A_134, %parallel_loop3A_224, %parallel_loop3A_225] : memref<2x128x128xf32, #tpu.memory_space<vmem>> -> memref<1x128x128xf32, #tpu.memory_space<vmem>>
      %parallel_loop3A_227 = tpu.memref_squeeze %parallel_loop3A_226 : memref<1x128x128xf32, #tpu.memory_space<vmem>> -> memref<128x128xf32, #tpu.memory_space<vmem>>
      %parallel_loop3A_228 = arith.index_cast %parallel_loop3A_209 : i32 to index
      %parallel_loop3A_229 = arith.constant 0 : index
      %parallel_loop3A_230 = tpu.vector_load %parallel_loop3A_227[%parallel_loop3A_228, %parallel_loop3A_229] {strides = array<i32>} : memref<128x128xf32, #tpu.memory_space<vmem>>, vector<16xf32>,
      %parallel_loop3A_231 = arith.mulf %parallel_loop3A_223, %parallel_loop3A_230 : vector<16xf32>
      %parallel_loop3A_232 = arith.addf %parallel_loop3A_231, %parallel_loop3A_215 : vector<16xf32>
      %parallel_loop3A_233 = arith.mulf %parallel_loop3A_216, %parallel_loop3A_232 : vector<16xf32>
      %parallel_loop3A_234 = arith.mulf %parallel_loop3A_233, %parallel_loop3A_232 : vector<16xf32>
      %parallel_loop3A_235 = arith.constant 0 : i32
      %parallel_loop3A_236 = arith.constant 0 : i32
      %parallel_loop3A_237 = tpu.memref_slice %arg18[%parallel_loop3A_133, %parallel_loop3A_235, %parallel_loop3A_236] : memref<2x128x128xf32, #tpu.memory_space<vmem>> -> memref<1x128x128xf32, #tpu.memory_space<vmem>>
      %parallel_loop3A_238 = tpu.memref_squeeze %parallel_loop3A_237 : memref<1x128x128xf32, #tpu.memory_space<vmem>> -> memref<128x128xf32, #tpu.memory_space<vmem>>
      %parallel_loop3A_239 = arith.index_cast %parallel_loop3A_209 : i32 to index
      %parallel_loop3A_240 = arith.constant 16 : index
      %parallel_loop3A_241 = tpu.vector_load %parallel_loop3A_238[%parallel_loop3A_239, %parallel_loop3A_240] {strides = array<i32>} : memref<128x128xf32, #tpu.memory_space<vmem>>, vector<16xf32>,
      %parallel_loop3A_242 = arith.constant 0 : i32
      %parallel_loop3A_243 = arith.constant 0 : i32
      %parallel_loop3A_244 = tpu.memref_slice %arg19[%parallel_loop3A_134, %parallel_loop3A_242, %parallel_loop3A_243] : memref<2x128x128xf32, #tpu.memory_space<vmem>> -> memref<1x128x128xf32, #tpu.memory_space<vmem>>
      %parallel_loop3A_245 = tpu.memref_squeeze %parallel_loop3A_244 : memref<1x128x128xf32, #tpu.memory_space<vmem>> -> memref<128x128xf32, #tpu.memory_space<vmem>>
      %parallel_loop3A_246 = arith.index_cast %parallel_loop3A_209 : i32 to index
      %parallel_loop3A_247 = arith.constant 16 : index
      %parallel_loop3A_248 = tpu.vector_load %parallel_loop3A_245[%parallel_loop3A_246, %parallel_loop3A_247] {strides = array<i32>} : memref<128x128xf32, #tpu.memory_space<vmem>>, vector<16xf32>,
      %parallel_loop3A_249 = arith.mulf %parallel_loop3A_241, %parallel_loop3A_248 : vector<16xf32>
      %parallel_loop3A_250 = arith.addf %parallel_loop3A_249, %parallel_loop3A_215 : vector<16xf32>
      %parallel_loop3A_251 = arith.mulf %parallel_loop3A_216, %parallel_loop3A_250 : vector<16xf32>
      %parallel_loop3A_252 = arith.mulf %parallel_loop3A_251, %parallel_loop3A_250 : vector<16xf32>
      %parallel_loop3A_253 = arith.constant 0 : i32
      %parallel_loop3A_254 = arith.constant 0 : i32
      %parallel_loop3A_255 = tpu.memref_slice %arg18[%parallel_loop3A_133, %parallel_loop3A_253, %parallel_loop3A_254] : memref<2x128x128xf32, #tpu.memory_space<vmem>> -> memref<1x128x128xf32, #tpu.memory_space<vmem>>
      %parallel_loop3A_256 = tpu.memref_squeeze %parallel_loop3A_255 : memref<1x128x128xf32, #tpu.memory_space<vmem>> -> memref<128x128xf32, #tpu.memory_space<vmem>>
      %parallel_loop3A_257 = arith.index_cast %parallel_loop3A_209 : i32 to index
      %parallel_loop3A_258 = arith.constant 32 : index
      %parallel_loop3A_259 = tpu.vector_load %parallel_loop3A_256[%parallel_loop3A_257, %parallel_loop3A_258] {strides = array<i32>} : memref<128x128xf32, #tpu.memory_space<vmem>>, vector<16xf32>,
      %parallel_loop3A_260 = arith.constant 0 : i32
      %parallel_loop3A_261 = arith.constant 0 : i32
      %parallel_loop3A_262 = tpu.memref_slice %arg19[%parallel_loop3A_134, %parallel_loop3A_260, %parallel_loop3A_261] : memref<2x128x128xf32, #tpu.memory_space<vmem>> -> memref<1x128x128xf32, #tpu.memory_space<vmem>>
      %parallel_loop3A_263 = tpu.memref_squeeze %parallel_loop3A_262 : memref<1x128x128xf32, #tpu.memory_space<vmem>> -> memref<128x128xf32, #tpu.memory_space<vmem>>
      %parallel_loop3A_264 = arith.index_cast %parallel_loop3A_209 : i32 to index
      %parallel_loop3A_265 = arith.constant 32 : index
      %parallel_loop3A_266 = tpu.vector_load %parallel_loop3A_263[%parallel_loop3A_264, %parallel_loop3A_265] {strides = array<i32>} : memref<128x128xf32, #tpu.memory_space<vmem>>, vector<16xf32>,
      %parallel_loop3A_267 = arith.mulf %parallel_loop3A_259, %parallel_loop3A_266 : vector<16xf32>
      %parallel_loop3A_268 = arith.addf %parallel_loop3A_267, %parallel_loop3A_215 : vector<16xf32>
      %parallel_loop3A_269 = arith.mulf %parallel_loop3A_216, %parallel_loop3A_268 : vector<16xf32>
      %parallel_loop3A_270 = arith.mulf %parallel_loop3A_269, %parallel_loop3A_268 : vector<16xf32>
      %parallel_loop3A_271 = arith.constant 0 : i32
      %parallel_loop3A_272 = arith.constant 0 : i32
      %parallel_loop3A_273 = tpu.memref_slice %arg18[%parallel_loop3A_133, %parallel_loop3A_271, %parallel_loop3A_272] : memref<2x128x128xf32, #tpu.memory_space<vmem>> -> memref<1x128x128xf32, #tpu.memory_space<vmem>>
      %parallel_loop3A_274 = tpu.memref_squeeze %parallel_loop3A_273 : memref<1x128x128xf32, #tpu.memory_space<vmem>> -> memref<128x128xf32, #tpu.memory_space<vmem>>
      %parallel_loop3A_275 = arith.index_cast %parallel_loop3A_209 : i32 to index
      %parallel_loop3A_276 = arith.constant 48 : index
      %parallel_loop3A_277 = tpu.vector_load %parallel_loop3A_274[%parallel_loop3A_275, %parallel_loop3A_276] {strides = array<i32>} : memref<128x128xf32, #tpu.memory_space<vmem>>, vector<16xf32>,
      %parallel_loop3A_278 = arith.constant 0 : i32
      %parallel_loop3A_279 = arith.constant 0 : i32
      %parallel_loop3A_280 = tpu.memref_slice %arg19[%parallel_loop3A_134, %parallel_loop3A_278, %parallel_loop3A_279] : memref<2x128x128xf32, #tpu.memory_space<vmem>> -> memref<1x128x128xf32, #tpu.memory_space<vmem>>
      %parallel_loop3A_281 = tpu.memref_squeeze %parallel_loop3A_280 : memref<1x128x128xf32, #tpu.memory_space<vmem>> -> memref<128x128xf32, #tpu.memory_space<vmem>>
      %parallel_loop3A_282 = arith.index_cast %parallel_loop3A_209 : i32 to index
      %parallel_loop3A_283 = arith.constant 48 : index
      %parallel_loop3A_284 = tpu.vector_load %parallel_loop3A_281[%parallel_loop3A_282, %parallel_loop3A_283] {strides = array<i32>} : memref<128x128xf32, #tpu.memory_space<vmem>>, vector<16xf32>,
      %parallel_loop3A_285 = arith.mulf %parallel_loop3A_277, %parallel_loop3A_284 : vector<16xf32>
      %parallel_loop3A_286 = arith.addf %parallel_loop3A_285, %parallel_loop3A_215 : vector<16xf32>
      %parallel_loop3A_287 = arith.mulf %parallel_loop3A_216, %parallel_loop3A_286 : vector<16xf32>
      %parallel_loop3A_288 = arith.mulf %parallel_loop3A_287, %parallel_loop3A_286 : vector<16xf32>
      %parallel_loop3A_289 = arith.constant 0 : i32
      %parallel_loop3A_290 = arith.constant 0 : i32
      %parallel_loop3A_291 = tpu.memref_slice %arg18[%parallel_loop3A_133, %parallel_loop3A_289, %parallel_loop3A_290] : memref<2x128x128xf32, #tpu.memory_space<vmem>> -> memref<1x128x128xf32, #tpu.memory_space<vmem>>
      %parallel_loop3A_292 = tpu.memref_squeeze %parallel_loop3A_291 : memref<1x128x128xf32, #tpu.memory_space<vmem>> -> memref<128x128xf32, #tpu.memory_space<vmem>>
      %parallel_loop3A_293 = arith.index_cast %parallel_loop3A_209 : i32 to index
      %parallel_loop3A_294 = arith.constant 64 : index
      %parallel_loop3A_295 = tpu.vector_load %parallel_loop3A_292[%parallel_loop3A_293, %parallel_loop3A_294] {strides = array<i32>} : memref<128x128xf32, #tpu.memory_space<vmem>>, vector<16xf32>,
      %parallel_loop3A_296 = arith.constant 0 : i32
      %parallel_loop3A_297 = arith.constant 0 : i32
      %parallel_loop3A_298 = tpu.memref_slice %arg19[%parallel_loop3A_134, %parallel_loop3A_296, %parallel_loop3A_297] : memref<2x128x128xf32, #tpu.memory_space<vmem>> -> memref<1x128x128xf32, #tpu.memory_space<vmem>>
      %parallel_loop3A_299 = tpu.memref_squeeze %parallel_loop3A_298 : memref<1x128x128xf32, #tpu.memory_space<vmem>> -> memref<128x128xf32, #tpu.memory_space<vmem>>
      %parallel_loop3A_300 = arith.index_cast %parallel_loop3A_209 : i32 to index
      %parallel_loop3A_301 = arith.constant 64 : index
      %parallel_loop3A_302 = tpu.vector_load %parallel_loop3A_299[%parallel_loop3A_300, %parallel_loop3A_301] {strides = array<i32>} : memref<128x128xf32, #tpu.memory_space<vmem>>, vector<16xf32>,
      %parallel_loop3A_303 = arith.mulf %parallel_loop3A_295, %parallel_loop3A_302 : vector<16xf32>
      %parallel_loop3A_304 = arith.addf %parallel_loop3A_303, %parallel_loop3A_215 : vector<16xf32>
      %parallel_loop3A_305 = arith.mulf %parallel_loop3A_216, %parallel_loop3A_304 : vector<16xf32>
      %parallel_loop3A_306 = arith.mulf %parallel_loop3A_305, %parallel_loop3A_304 : vector<16xf32>
      %parallel_loop3A_307 = arith.constant 0 : i32
      %parallel_loop3A_308 = arith.constant 0 : i32
      %parallel_loop3A_309 = tpu.memref_slice %arg18[%parallel_loop3A_133, %parallel_loop3A_307, %parallel_loop3A_308] : memref<2x128x128xf32, #tpu.memory_space<vmem>> -> memref<1x128x128xf32, #tpu.memory_space<vmem>>
      %parallel_loop3A_310 = tpu.memref_squeeze %parallel_loop3A_309 : memref<1x128x128xf32, #tpu.memory_space<vmem>> -> memref<128x128xf32, #tpu.memory_space<vmem>>
      %parallel_loop3A_311 = arith.index_cast %parallel_loop3A_209 : i32 to index
      %parallel_loop3A_312 = arith.constant 80 : index
      %parallel_loop3A_313 = tpu.vector_load %parallel_loop3A_310[%parallel_loop3A_311, %parallel_loop3A_312] {strides = array<i32>} : memref<128x128xf32, #tpu.memory_space<vmem>>, vector<16xf32>,
      %parallel_loop3A_314 = arith.constant 0 : i32
      %parallel_loop3A_315 = arith.constant 0 : i32
      %parallel_loop3A_316 = tpu.memref_slice %arg19[%parallel_loop3A_134, %parallel_loop3A_314, %parallel_loop3A_315] : memref<2x128x128xf32, #tpu.memory_space<vmem>> -> memref<1x128x128xf32, #tpu.memory_space<vmem>>
      %parallel_loop3A_317 = tpu.memref_squeeze %parallel_loop3A_316 : memref<1x128x128xf32, #tpu.memory_space<vmem>> -> memref<128x128xf32, #tpu.memory_space<vmem>>
      %parallel_loop3A_318 = arith.index_cast %parallel_loop3A_209 : i32 to index
      %parallel_loop3A_319 = arith.constant 80 : index
      %parallel_loop3A_320 = tpu.vector_load %parallel_loop3A_317[%parallel_loop3A_318, %parallel_loop3A_319] {strides = array<i32>} : memref<128x128xf32, #tpu.memory_space<vmem>>, vector<16xf32>,
      %parallel_loop3A_321 = arith.mulf %parallel_loop3A_313, %parallel_loop3A_320 : vector<16xf32>
      %parallel_loop3A_322 = arith.addf %parallel_loop3A_321, %parallel_loop3A_215 : vector<16xf32>
      %parallel_loop3A_323 = arith.mulf %parallel_loop3A_216, %parallel_loop3A_322 : vector<16xf32>
      %parallel_loop3A_324 = arith.mulf %parallel_loop3A_323, %parallel_loop3A_322 : vector<16xf32>
      %parallel_loop3A_325 = arith.constant 0 : i32
      %parallel_loop3A_326 = arith.constant 0 : i32
      %parallel_loop3A_327 = tpu.memref_slice %arg18[%parallel_loop3A_133, %parallel_loop3A_325, %parallel_loop3A_326] : memref<2x128x128xf32, #tpu.memory_space<vmem>> -> memref<1x128x128xf32, #tpu.memory_space<vmem>>
      %parallel_loop3A_328 = tpu.memref_squeeze %parallel_loop3A_327 : memref<1x128x128xf32, #tpu.memory_space<vmem>> -> memref<128x128xf32, #tpu.memory_space<vmem>>
      %parallel_loop3A_329 = arith.index_cast %parallel_loop3A_209 : i32 to index
      %parallel_loop3A_330 = arith.constant 96 : index
      %parallel_loop3A_331 = tpu.vector_load %parallel_loop3A_328[%parallel_loop3A_329, %parallel_loop3A_330] {strides = array<i32>} : memref<128x128xf32, #tpu.memory_space<vmem>>, vector<16xf32>,
      %parallel_loop3A_332 = arith.constant 0 : i32
      %parallel_loop3A_333 = arith.constant 0 : i32
      %parallel_loop3A_334 = tpu.memref_slice %arg19[%parallel_loop3A_134, %parallel_loop3A_332, %parallel_loop3A_333] : memref<2x128x128xf32, #tpu.memory_space<vmem>> -> memref<1x128x128xf32, #tpu.memory_space<vmem>>
      %parallel_loop3A_335 = tpu.memref_squeeze %parallel_loop3A_334 : memref<1x128x128xf32, #tpu.memory_space<vmem>> -> memref<128x128xf32, #tpu.memory_space<vmem>>
      %parallel_loop3A_336 = arith.index_cast %parallel_loop3A_209 : i32 to index
      %parallel_loop3A_337 = arith.constant 96 : index
      %parallel_loop3A_338 = tpu.vector_load %parallel_loop3A_335[%parallel_loop3A_336, %parallel_loop3A_337] {strides = array<i32>} : memref<128x128xf32, #tpu.memory_space<vmem>>, vector<16xf32>,
      %parallel_loop3A_339 = arith.mulf %parallel_loop3A_331, %parallel_loop3A_338 : vector<16xf32>
      %parallel_loop3A_340 = arith.addf %parallel_loop3A_339, %parallel_loop3A_215 : vector<16xf32>
      %parallel_loop3A_341 = arith.mulf %parallel_loop3A_216, %parallel_loop3A_340 : vector<16xf32>
      %parallel_loop3A_342 = arith.mulf %parallel_loop3A_341, %parallel_loop3A_340 : vector<16xf32>
      %parallel_loop3A_343 = arith.constant 0 : i32
      %parallel_loop3A_344 = arith.constant 0 : i32
      %parallel_loop3A_345 = tpu.memref_slice %arg18[%parallel_loop3A_133, %parallel_loop3A_343, %parallel_loop3A_344] : memref<2x128x128xf32, #tpu.memory_space<vmem>> -> memref<1x128x128xf32, #tpu.memory_space<vmem>>
      %parallel_loop3A_346 = tpu.memref_squeeze %parallel_loop3A_345 : memref<1x128x128xf32, #tpu.memory_space<vmem>> -> memref<128x128xf32, #tpu.memory_space<vmem>>
      %parallel_loop3A_347 = arith.index_cast %parallel_loop3A_209 : i32 to index
      %parallel_loop3A_348 = arith.constant 112 : index
      %parallel_loop3A_349 = tpu.vector_load %parallel_loop3A_346[%parallel_loop3A_347, %parallel_loop3A_348] {strides = array<i32>} : memref<128x128xf32, #tpu.memory_space<vmem>>, vector<16xf32>,
      %parallel_loop3A_350 = arith.constant 0 : i32
      %parallel_loop3A_351 = arith.constant 0 : i32
      %parallel_loop3A_352 = tpu.memref_slice %arg19[%parallel_loop3A_134, %parallel_loop3A_350, %parallel_loop3A_351] : memref<2x128x128xf32, #tpu.memory_space<vmem>> -> memref<1x128x128xf32, #tpu.memory_space<vmem>>
      %parallel_loop3A_353 = tpu.memref_squeeze %parallel_loop3A_352 : memref<1x128x128xf32, #tpu.memory_space<vmem>> -> memref<128x128xf32, #tpu.memory_space<vmem>>
      %parallel_loop3A_354 = arith.index_cast %parallel_loop3A_209 : i32 to index
      %parallel_loop3A_355 = arith.constant 112 : index
      %parallel_loop3A_356 = tpu.vector_load %parallel_loop3A_353[%parallel_loop3A_354, %parallel_loop3A_355] {strides = array<i32>} : memref<128x128xf32, #tpu.memory_space<vmem>>, vector<16xf32>,
      %parallel_loop3A_357 = arith.mulf %parallel_loop3A_349, %parallel_loop3A_356 : vector<16xf32>
      %parallel_loop3A_358 = arith.addf %parallel_loop3A_357, %parallel_loop3A_215 : vector<16xf32>
      %parallel_loop3A_359 = arith.mulf %parallel_loop3A_216, %parallel_loop3A_358 : vector<16xf32>
      %parallel_loop3A_360 = arith.mulf %parallel_loop3A_359, %parallel_loop3A_358 : vector<16xf32>
      %parallel_loop3A_361 = arith.addf %parallel_loop3A_234, %parallel_loop3A_252 : vector<16xf32>
      %parallel_loop3A_362 = arith.addf %parallel_loop3A_270, %parallel_loop3A_288 : vector<16xf32>
      %parallel_loop3A_363 = arith.addf %parallel_loop3A_306, %parallel_loop3A_324 : vector<16xf32>
      %parallel_loop3A_364 = arith.addf %parallel_loop3A_342, %parallel_loop3A_360 : vector<16xf32>
      %parallel_loop3A_365 = arith.addf %parallel_loop3A_361, %parallel_loop3A_362 : vector<16xf32>
      %parallel_loop3A_366 = arith.addf %parallel_loop3A_363, %parallel_loop3A_364 : vector<16xf32>
      %parallel_loop3A_367 = arith.addf %parallel_loop3A_365, %parallel_loop3A_366 : vector<16xf32>
      %parallel_loop3A_368 = arith.addf %parallel_loop3A_210, %parallel_loop3A_367 : vector<16xf32>
      scf.yield %parallel_loop3A_368 : vector<16xf32>
    } {sc.loop_unroll_factor = 2 : i64, sc.parallel_access}
    %dma_start3A_136 = arith.constant 1 : i32
    %dma_start3A_137 = arith.constant 0 : i32
    %dma_start3A_138 = arith.constant 0 : i32
    %dma_start3A_139 = tpu.memref_slice %arg18[%dma_start3A_136, %dma_start3A_137, %dma_start3A_138] : memref<2x128x128xf32, #tpu.memory_space<vmem>> -> memref<1x128x128xf32, #tpu.memory_space<vmem>>
    %dma_start3A_140 = tpu.memref_squeeze %dma_start3A_139 : memref<1x128x128xf32, #tpu.memory_space<vmem>> -> memref<128x128xf32, #tpu.memory_space<vmem>>
    %dma_start3A_141 = arith.constant 384 : i32
    %dma_start3A_142 = tpu.memref_slice %arg10[%dma_start3A_141] : memref<512xi32, #tpu.memory_space<vmem>> -> memref<128xi32, #tpu.memory_space<vmem>>
    %dma_start3A_143 = arith.constant 0 : i32
    %dma_start3A_144 = arith.constant 0 : i32
    %dma_start3A_145 = tpu.memref_slice %arg21[%dma_start3A_143, %dma_start3A_144] : memref<1000x128xf32, #tpu.memory_space<vmem_shared>> -> memref<1000x128xf32, #tpu.memory_space<vmem_shared>>
    tpu.enqueue_indirect_dma source(%dma_start3A_145 : memref<1000x128xf32, #tpu.memory_space<vmem_shared>>) target(%dma_start3A_140 : memref<128x128xf32, #tpu.memory_space<vmem>>) offsets(%dma_start3A_142 : memref<128xi32, #tpu.memory_space<vmem>>) semaphore(%arg27 : memref<!tpu.dma_semaphore, #tpu.memory_space<semaphore_mem>>)
    %dma_start3A_146 = arith.constant 1 : i32
    %dma_start3A_147 = arith.constant 0 : i32
    %dma_start3A_148 = arith.constant 0 : i32
    %dma_start3A_149 = tpu.memref_slice %arg19[%dma_start3A_146, %dma_start3A_147, %dma_start3A_148] : memref<2x128x128xf32, #tpu.memory_space<vmem>> -> memref<1x128x128xf32, #tpu.memory_space<vmem>>
    %dma_start3A_150 = tpu.memref_squeeze %dma_start3A_149 : memref<1x128x128xf32, #tpu.memory_space<vmem>> -> memref<128x128xf32, #tpu.memory_space<vmem>>
    %dma_start3A_151 = arith.constant 384 : i32
    %dma_start3A_152 = tpu.memref_slice %arg11[%dma_start3A_151] : memref<512xi32, #tpu.memory_space<vmem>> -> memref<128xi32, #tpu.memory_space<vmem>>
    %dma_start3A_153 = arith.constant 0 : i32
    %dma_start3A_154 = arith.constant 0 : i32
    %dma_start3A_155 = tpu.memref_slice %arg22[%dma_start3A_153, %dma_start3A_154] : memref<1000x128xf32, #tpu.memory_space<vmem_shared>> -> memref<1000x128xf32, #tpu.memory_space<vmem_shared>>
    tpu.enqueue_indirect_dma source(%dma_start3A_155 : memref<1000x128xf32, #tpu.memory_space<vmem_shared>>) target(%dma_start3A_150 : memref<128x128xf32, #tpu.memory_space<vmem>>) offsets(%dma_start3A_152 : memref<128xi32, #tpu.memory_space<vmem>>) semaphore(%arg29 : memref<!tpu.dma_semaphore, #tpu.memory_space<semaphore_mem>>)
    %dma_wait3A_156 = arith.constant 0 : i32
    %dma_wait3A_157 = arith.constant 0 : i32
    %dma_wait3A_158 = arith.constant 0 : i32
    %dma_wait3A_159 = tpu.memref_slice %arg18[%dma_wait3A_156, %dma_wait3A_157, %dma_wait3A_158] : memref<2x128x128xf32, #tpu.memory_space<vmem>> -> memref<1x128x128xf32, #tpu.memory_space<vmem>>
    %dma_wait3A_160 = tpu.memref_squeeze %dma_wait3A_159 : memref<1x128x128xf32, #tpu.memory_space<vmem>> -> memref<128x128xf32, #tpu.memory_space<vmem>>
    %dma_wait3A_161 = arith.constant 256 : i32
    %dma_wait3A_162 = tpu.memref_slice %arg10[%dma_wait3A_161] : memref<512xi32, #tpu.memory_space<vmem>> -> memref<128xi32, #tpu.memory_space<vmem>>
    %dma_wait3A_163 = arith.constant 0 : i32
    %dma_wait3A_164 = arith.constant 0 : i32
    %dma_wait3A_165 = tpu.memref_slice %arg21[%dma_wait3A_163, %dma_wait3A_164] : memref<1000x128xf32, #tpu.memory_space<vmem_shared>> -> memref<1000x128xf32, #tpu.memory_space<vmem_shared>>
    tpu.wait_indirect_dma semaphore(%arg26 : memref<!tpu.dma_semaphore, #tpu.memory_space<semaphore_mem>>) src(%dma_wait3A_165 : memref<1000x128xf32, #tpu.memory_space<vmem_shared>>) dst(%dma_wait3A_160 : memref<128x128xf32, #tpu.memory_space<vmem>>)
    %dma_wait3A_166 = arith.constant 0 : i32
    %dma_wait3A_167 = arith.constant 0 : i32
    %dma_wait3A_168 = arith.constant 0 : i32
    %dma_wait3A_169 = tpu.memref_slice %arg19[%dma_wait3A_166, %dma_wait3A_167, %dma_wait3A_168] : memref<2x128x128xf32, #tpu.memory_space<vmem>> -> memref<1x128x128xf32, #tpu.memory_space<vmem>>
    %dma_wait3A_170 = tpu.memref_squeeze %dma_wait3A_169 : memref<1x128x128xf32, #tpu.memory_space<vmem>> -> memref<128x128xf32, #tpu.memory_space<vmem>>
    %dma_wait3A_171 = arith.constant 256 : i32
    %dma_wait3A_172 = tpu.memref_slice %arg11[%dma_wait3A_171] : memref<512xi32, #tpu.memory_space<vmem>> -> memref<128xi32, #tpu.memory_space<vmem>>
    %dma_wait3A_173 = arith.constant 0 : i32
    %dma_wait3A_174 = arith.constant 0 : i32
    %dma_wait3A_175 = tpu.memref_slice %arg22[%dma_wait3A_173, %dma_wait3A_174] : memref<1000x128xf32, #tpu.memory_space<vmem_shared>> -> memref<1000x128xf32, #tpu.memory_space<vmem_shared>>
    tpu.wait_indirect_dma semaphore(%arg28 : memref<!tpu.dma_semaphore, #tpu.memory_space<semaphore_mem>>) src(%dma_wait3A_175 : memref<1000x128xf32, #tpu.memory_space<vmem_shared>>) dst(%dma_wait3A_170 : memref<128x128xf32, #tpu.memory_space<vmem>>)
    %parallel_loop3A_176 = arith.constant 0 : i32
    %parallel_loop3A_177 = arith.constant 128 : i32
    %parallel_loop3A_178 = arith.constant 1 : i32
    %parallel_loop3A_179 = arith.constant 0 : i32
    %parallel_loop3A_180 = arith.constant 0 : i32
    %parallel_loop3A_181 = scf.for %parallel_loop3A_209 = %parallel_loop3A_176 to %parallel_loop3A_177 step %parallel_loop3A_178 iter_args(%parallel_loop3A_210 = %parallel_loop3A_135) -> (vector<16xf32>)  : i32 {
      %parallel_loop3A_211 = arith.constant 256 : i32
      %parallel_loop3A_212 = vector.broadcast %parallel_loop3A_211 : i32 to vector<16xi32>
      %parallel_loop3A_213 = vector.broadcast %parallel_loop3A_209 : i32 to vector<16xi32>
      %parallel_loop3A_214 = arith.addi %parallel_loop3A_212, %parallel_loop3A_213 : vector<16xi32>
      %parallel_loop3A_215 = tpu.vector_load_idx %arg16[%parallel_loop3A_214] : memref<512xf32, #tpu.memory_space<vmem>>[vector<16xi32>], vector<16xf32>,
      %parallel_loop3A_216 = tpu.vector_load_idx %arg17[%parallel_loop3A_214] : memref<512xf32, #tpu.memory_space<vmem>>[vector<16xi32>], vector<16xf32>,
      %parallel_loop3A_217 = arith.constant 0 : i32
      %parallel_loop3A_218 = arith.constant 0 : i32
      %parallel_loop3A_219 = tpu.memref_slice %arg18[%parallel_loop3A_179, %parallel_loop3A_217, %parallel_loop3A_218] : memref<2x128x128xf32, #tpu.memory_space<vmem>> -> memref<1x128x128xf32, #tpu.memory_space<vmem>>
      %parallel_loop3A_220 = tpu.memref_squeeze %parallel_loop3A_219 : memref<1x128x128xf32, #tpu.memory_space<vmem>> -> memref<128x128xf32, #tpu.memory_space<vmem>>
      %parallel_loop3A_221 = arith.index_cast %parallel_loop3A_209 : i32 to index
      %parallel_loop3A_222 = arith.constant 0 : index
      %parallel_loop3A_223 = tpu.vector_load %parallel_loop3A_220[%parallel_loop3A_221, %parallel_loop3A_222] {strides = array<i32>} : memref<128x128xf32, #tpu.memory_space<vmem>>, vector<16xf32>,
      %parallel_loop3A_224 = arith.constant 0 : i32
      %parallel_loop3A_225 = arith.constant 0 : i32
      %parallel_loop3A_226 = tpu.memref_slice %arg19[%parallel_loop3A_180, %parallel_loop3A_224, %parallel_loop3A_225] : memref<2x128x128xf32, #tpu.memory_space<vmem>> -> memref<1x128x128xf32, #tpu.memory_space<vmem>>
      %parallel_loop3A_227 = tpu.memref_squeeze %parallel_loop3A_226 : memref<1x128x128xf32, #tpu.memory_space<vmem>> -> memref<128x128xf32, #tpu.memory_space<vmem>>
      %parallel_loop3A_228 = arith.index_cast %parallel_loop3A_209 : i32 to index
      %parallel_loop3A_229 = arith.constant 0 : index
      %parallel_loop3A_230 = tpu.vector_load %parallel_loop3A_227[%parallel_loop3A_228, %parallel_loop3A_229] {strides = array<i32>} : memref<128x128xf32, #tpu.memory_space<vmem>>, vector<16xf32>,
      %parallel_loop3A_231 = arith.mulf %parallel_loop3A_223, %parallel_loop3A_230 : vector<16xf32>
      %parallel_loop3A_232 = arith.addf %parallel_loop3A_231, %parallel_loop3A_215 : vector<16xf32>
      %parallel_loop3A_233 = arith.mulf %parallel_loop3A_216, %parallel_loop3A_232 : vector<16xf32>
      %parallel_loop3A_234 = arith.mulf %parallel_loop3A_233, %parallel_loop3A_232 : vector<16xf32>
      %parallel_loop3A_235 = arith.constant 0 : i32
      %parallel_loop3A_236 = arith.constant 0 : i32
      %parallel_loop3A_237 = tpu.memref_slice %arg18[%parallel_loop3A_179, %parallel_loop3A_235, %parallel_loop3A_236] : memref<2x128x128xf32, #tpu.memory_space<vmem>> -> memref<1x128x128xf32, #tpu.memory_space<vmem>>
      %parallel_loop3A_238 = tpu.memref_squeeze %parallel_loop3A_237 : memref<1x128x128xf32, #tpu.memory_space<vmem>> -> memref<128x128xf32, #tpu.memory_space<vmem>>
      %parallel_loop3A_239 = arith.index_cast %parallel_loop3A_209 : i32 to index
      %parallel_loop3A_240 = arith.constant 16 : index
      %parallel_loop3A_241 = tpu.vector_load %parallel_loop3A_238[%parallel_loop3A_239, %parallel_loop3A_240] {strides = array<i32>} : memref<128x128xf32, #tpu.memory_space<vmem>>, vector<16xf32>,
      %parallel_loop3A_242 = arith.constant 0 : i32
      %parallel_loop3A_243 = arith.constant 0 : i32
      %parallel_loop3A_244 = tpu.memref_slice %arg19[%parallel_loop3A_180, %parallel_loop3A_242, %parallel_loop3A_243] : memref<2x128x128xf32, #tpu.memory_space<vmem>> -> memref<1x128x128xf32, #tpu.memory_space<vmem>>
      %parallel_loop3A_245 = tpu.memref_squeeze %parallel_loop3A_244 : memref<1x128x128xf32, #tpu.memory_space<vmem>> -> memref<128x128xf32, #tpu.memory_space<vmem>>
      %parallel_loop3A_246 = arith.index_cast %parallel_loop3A_209 : i32 to index
      %parallel_loop3A_247 = arith.constant 16 : index
      %parallel_loop3A_248 = tpu.vector_load %parallel_loop3A_245[%parallel_loop3A_246, %parallel_loop3A_247] {strides = array<i32>} : memref<128x128xf32, #tpu.memory_space<vmem>>, vector<16xf32>,
      %parallel_loop3A_249 = arith.mulf %parallel_loop3A_241, %parallel_loop3A_248 : vector<16xf32>
      %parallel_loop3A_250 = arith.addf %parallel_loop3A_249, %parallel_loop3A_215 : vector<16xf32>
      %parallel_loop3A_251 = arith.mulf %parallel_loop3A_216, %parallel_loop3A_250 : vector<16xf32>
      %parallel_loop3A_252 = arith.mulf %parallel_loop3A_251, %parallel_loop3A_250 : vector<16xf32>
      %parallel_loop3A_253 = arith.constant 0 : i32
      %parallel_loop3A_254 = arith.constant 0 : i32
      %parallel_loop3A_255 = tpu.memref_slice %arg18[%parallel_loop3A_179, %parallel_loop3A_253, %parallel_loop3A_254] : memref<2x128x128xf32, #tpu.memory_space<vmem>> -> memref<1x128x128xf32, #tpu.memory_space<vmem>>
      %parallel_loop3A_256 = tpu.memref_squeeze %parallel_loop3A_255 : memref<1x128x128xf32, #tpu.memory_space<vmem>> -> memref<128x128xf32, #tpu.memory_space<vmem>>
      %parallel_loop3A_257 = arith.index_cast %parallel_loop3A_209 : i32 to index
      %parallel_loop3A_258 = arith.constant 32 : index
      %parallel_loop3A_259 = tpu.vector_load %parallel_loop3A_256[%parallel_loop3A_257, %parallel_loop3A_258] {strides = array<i32>} : memref<128x128xf32, #tpu.memory_space<vmem>>, vector<16xf32>,
      %parallel_loop3A_260 = arith.constant 0 : i32
      %parallel_loop3A_261 = arith.constant 0 : i32
      %parallel_loop3A_262 = tpu.memref_slice %arg19[%parallel_loop3A_180, %parallel_loop3A_260, %parallel_loop3A_261] : memref<2x128x128xf32, #tpu.memory_space<vmem>> -> memref<1x128x128xf32, #tpu.memory_space<vmem>>
      %parallel_loop3A_263 = tpu.memref_squeeze %parallel_loop3A_262 : memref<1x128x128xf32, #tpu.memory_space<vmem>> -> memref<128x128xf32, #tpu.memory_space<vmem>>
      %parallel_loop3A_264 = arith.index_cast %parallel_loop3A_209 : i32 to index
      %parallel_loop3A_265 = arith.constant 32 : index
      %parallel_loop3A_266 = tpu.vector_load %parallel_loop3A_263[%parallel_loop3A_264, %parallel_loop3A_265] {strides = array<i32>} : memref<128x128xf32, #tpu.memory_space<vmem>>, vector<16xf32>,
      %parallel_loop3A_267 = arith.mulf %parallel_loop3A_259, %parallel_loop3A_266 : vector<16xf32>
      %parallel_loop3A_268 = arith.addf %parallel_loop3A_267, %parallel_loop3A_215 : vector<16xf32>
      %parallel_loop3A_269 = arith.mulf %parallel_loop3A_216, %parallel_loop3A_268 : vector<16xf32>
      %parallel_loop3A_270 = arith.mulf %parallel_loop3A_269, %parallel_loop3A_268 : vector<16xf32>
      %parallel_loop3A_271 = arith.constant 0 : i32
      %parallel_loop3A_272 = arith.constant 0 : i32
      %parallel_loop3A_273 = tpu.memref_slice %arg18[%parallel_loop3A_179, %parallel_loop3A_271, %parallel_loop3A_272] : memref<2x128x128xf32, #tpu.memory_space<vmem>> -> memref<1x128x128xf32, #tpu.memory_space<vmem>>
      %parallel_loop3A_274 = tpu.memref_squeeze %parallel_loop3A_273 : memref<1x128x128xf32, #tpu.memory_space<vmem>> -> memref<128x128xf32, #tpu.memory_space<vmem>>
      %parallel_loop3A_275 = arith.index_cast %parallel_loop3A_209 : i32 to index
      %parallel_loop3A_276 = arith.constant 48 : index
      %parallel_loop3A_277 = tpu.vector_load %parallel_loop3A_274[%parallel_loop3A_275, %parallel_loop3A_276] {strides = array<i32>} : memref<128x128xf32, #tpu.memory_space<vmem>>, vector<16xf32>,
      %parallel_loop3A_278 = arith.constant 0 : i32
      %parallel_loop3A_279 = arith.constant 0 : i32
      %parallel_loop3A_280 = tpu.memref_slice %arg19[%parallel_loop3A_180, %parallel_loop3A_278, %parallel_loop3A_279] : memref<2x128x128xf32, #tpu.memory_space<vmem>> -> memref<1x128x128xf32, #tpu.memory_space<vmem>>
      %parallel_loop3A_281 = tpu.memref_squeeze %parallel_loop3A_280 : memref<1x128x128xf32, #tpu.memory_space<vmem>> -> memref<128x128xf32, #tpu.memory_space<vmem>>
      %parallel_loop3A_282 = arith.index_cast %parallel_loop3A_209 : i32 to index
      %parallel_loop3A_283 = arith.constant 48 : index
      %parallel_loop3A_284 = tpu.vector_load %parallel_loop3A_281[%parallel_loop3A_282, %parallel_loop3A_283] {strides = array<i32>} : memref<128x128xf32, #tpu.memory_space<vmem>>, vector<16xf32>,
      %parallel_loop3A_285 = arith.mulf %parallel_loop3A_277, %parallel_loop3A_284 : vector<16xf32>
      %parallel_loop3A_286 = arith.addf %parallel_loop3A_285, %parallel_loop3A_215 : vector<16xf32>
      %parallel_loop3A_287 = arith.mulf %parallel_loop3A_216, %parallel_loop3A_286 : vector<16xf32>
      %parallel_loop3A_288 = arith.mulf %parallel_loop3A_287, %parallel_loop3A_286 : vector<16xf32>
      %parallel_loop3A_289 = arith.constant 0 : i32
      %parallel_loop3A_290 = arith.constant 0 : i32
      %parallel_loop3A_291 = tpu.memref_slice %arg18[%parallel_loop3A_179, %parallel_loop3A_289, %parallel_loop3A_290] : memref<2x128x128xf32, #tpu.memory_space<vmem>> -> memref<1x128x128xf32, #tpu.memory_space<vmem>>
      %parallel_loop3A_292 = tpu.memref_squeeze %parallel_loop3A_291 : memref<1x128x128xf32, #tpu.memory_space<vmem>> -> memref<128x128xf32, #tpu.memory_space<vmem>>
      %parallel_loop3A_293 = arith.index_cast %parallel_loop3A_209 : i32 to index
      %parallel_loop3A_294 = arith.constant 64 : index
      %parallel_loop3A_295 = tpu.vector_load %parallel_loop3A_292[%parallel_loop3A_293, %parallel_loop3A_294] {strides = array<i32>} : memref<128x128xf32, #tpu.memory_space<vmem>>, vector<16xf32>,
      %parallel_loop3A_296 = arith.constant 0 : i32
      %parallel_loop3A_297 = arith.constant 0 : i32
      %parallel_loop3A_298 = tpu.memref_slice %arg19[%parallel_loop3A_180, %parallel_loop3A_296, %parallel_loop3A_297] : memref<2x128x128xf32, #tpu.memory_space<vmem>> -> memref<1x128x128xf32, #tpu.memory_space<vmem>>
      %parallel_loop3A_299 = tpu.memref_squeeze %parallel_loop3A_298 : memref<1x128x128xf32, #tpu.memory_space<vmem>> -> memref<128x128xf32, #tpu.memory_space<vmem>>
      %parallel_loop3A_300 = arith.index_cast %parallel_loop3A_209 : i32 to index
      %parallel_loop3A_301 = arith.constant 64 : index
      %parallel_loop3A_302 = tpu.vector_load %parallel_loop3A_299[%parallel_loop3A_300, %parallel_loop3A_301] {strides = array<i32>} : memref<128x128xf32, #tpu.memory_space<vmem>>, vector<16xf32>,
      %parallel_loop3A_303 = arith.mulf %parallel_loop3A_295, %parallel_loop3A_302 : vector<16xf32>
      %parallel_loop3A_304 = arith.addf %parallel_loop3A_303, %parallel_loop3A_215 : vector<16xf32>
      %parallel_loop3A_305 = arith.mulf %parallel_loop3A_216, %parallel_loop3A_304 : vector<16xf32>
      %parallel_loop3A_306 = arith.mulf %parallel_loop3A_305, %parallel_loop3A_304 : vector<16xf32>
      %parallel_loop3A_307 = arith.constant 0 : i32
      %parallel_loop3A_308 = arith.constant 0 : i32
      %parallel_loop3A_309 = tpu.memref_slice %arg18[%parallel_loop3A_179, %parallel_loop3A_307, %parallel_loop3A_308] : memref<2x128x128xf32, #tpu.memory_space<vmem>> -> memref<1x128x128xf32, #tpu.memory_space<vmem>>
      %parallel_loop3A_310 = tpu.memref_squeeze %parallel_loop3A_309 : memref<1x128x128xf32, #tpu.memory_space<vmem>> -> memref<128x128xf32, #tpu.memory_space<vmem>>
      %parallel_loop3A_311 = arith.index_cast %parallel_loop3A_209 : i32 to index
      %parallel_loop3A_312 = arith.constant 80 : index
      %parallel_loop3A_313 = tpu.vector_load %parallel_loop3A_310[%parallel_loop3A_311, %parallel_loop3A_312] {strides = array<i32>} : memref<128x128xf32, #tpu.memory_space<vmem>>, vector<16xf32>,
      %parallel_loop3A_314 = arith.constant 0 : i32
      %parallel_loop3A_315 = arith.constant 0 : i32
      %parallel_loop3A_316 = tpu.memref_slice %arg19[%parallel_loop3A_180, %parallel_loop3A_314, %parallel_loop3A_315] : memref<2x128x128xf32, #tpu.memory_space<vmem>> -> memref<1x128x128xf32, #tpu.memory_space<vmem>>
      %parallel_loop3A_317 = tpu.memref_squeeze %parallel_loop3A_316 : memref<1x128x128xf32, #tpu.memory_space<vmem>> -> memref<128x128xf32, #tpu.memory_space<vmem>>
      %parallel_loop3A_318 = arith.index_cast %parallel_loop3A_209 : i32 to index
      %parallel_loop3A_319 = arith.constant 80 : index
      %parallel_loop3A_320 = tpu.vector_load %parallel_loop3A_317[%parallel_loop3A_318, %parallel_loop3A_319] {strides = array<i32>} : memref<128x128xf32, #tpu.memory_space<vmem>>, vector<16xf32>,
      %parallel_loop3A_321 = arith.mulf %parallel_loop3A_313, %parallel_loop3A_320 : vector<16xf32>
      %parallel_loop3A_322 = arith.addf %parallel_loop3A_321, %parallel_loop3A_215 : vector<16xf32>
      %parallel_loop3A_323 = arith.mulf %parallel_loop3A_216, %parallel_loop3A_322 : vector<16xf32>
      %parallel_loop3A_324 = arith.mulf %parallel_loop3A_323, %parallel_loop3A_322 : vector<16xf32>
      %parallel_loop3A_325 = arith.constant 0 : i32
      %parallel_loop3A_326 = arith.constant 0 : i32
      %parallel_loop3A_327 = tpu.memref_slice %arg18[%parallel_loop3A_179, %parallel_loop3A_325, %parallel_loop3A_326] : memref<2x128x128xf32, #tpu.memory_space<vmem>> -> memref<1x128x128xf32, #tpu.memory_space<vmem>>
      %parallel_loop3A_328 = tpu.memref_squeeze %parallel_loop3A_327 : memref<1x128x128xf32, #tpu.memory_space<vmem>> -> memref<128x128xf32, #tpu.memory_space<vmem>>
      %parallel_loop3A_329 = arith.index_cast %parallel_loop3A_209 : i32 to index
      %parallel_loop3A_330 = arith.constant 96 : index
      %parallel_loop3A_331 = tpu.vector_load %parallel_loop3A_328[%parallel_loop3A_329, %parallel_loop3A_330] {strides = array<i32>} : memref<128x128xf32, #tpu.memory_space<vmem>>, vector<16xf32>,
      %parallel_loop3A_332 = arith.constant 0 : i32
      %parallel_loop3A_333 = arith.constant 0 : i32
      %parallel_loop3A_334 = tpu.memref_slice %arg19[%parallel_loop3A_180, %parallel_loop3A_332, %parallel_loop3A_333] : memref<2x128x128xf32, #tpu.memory_space<vmem>> -> memref<1x128x128xf32, #tpu.memory_space<vmem>>
      %parallel_loop3A_335 = tpu.memref_squeeze %parallel_loop3A_334 : memref<1x128x128xf32, #tpu.memory_space<vmem>> -> memref<128x128xf32, #tpu.memory_space<vmem>>
      %parallel_loop3A_336 = arith.index_cast %parallel_loop3A_209 : i32 to index
      %parallel_loop3A_337 = arith.constant 96 : index
      %parallel_loop3A_338 = tpu.vector_load %parallel_loop3A_335[%parallel_loop3A_336, %parallel_loop3A_337] {strides = array<i32>} : memref<128x128xf32, #tpu.memory_space<vmem>>, vector<16xf32>,
      %parallel_loop3A_339 = arith.mulf %parallel_loop3A_331, %parallel_loop3A_338 : vector<16xf32>
      %parallel_loop3A_340 = arith.addf %parallel_loop3A_339, %parallel_loop3A_215 : vector<16xf32>
      %parallel_loop3A_341 = arith.mulf %parallel_loop3A_216, %parallel_loop3A_340 : vector<16xf32>
      %parallel_loop3A_342 = arith.mulf %parallel_loop3A_341, %parallel_loop3A_340 : vector<16xf32>
      %parallel_loop3A_343 = arith.constant 0 : i32
      %parallel_loop3A_344 = arith.constant 0 : i32
      %parallel_loop3A_345 = tpu.memref_slice %arg18[%parallel_loop3A_179, %parallel_loop3A_343, %parallel_loop3A_344] : memref<2x128x128xf32, #tpu.memory_space<vmem>> -> memref<1x128x128xf32, #tpu.memory_space<vmem>>
      %parallel_loop3A_346 = tpu.memref_squeeze %parallel_loop3A_345 : memref<1x128x128xf32, #tpu.memory_space<vmem>> -> memref<128x128xf32, #tpu.memory_space<vmem>>
      %parallel_loop3A_347 = arith.index_cast %parallel_loop3A_209 : i32 to index
      %parallel_loop3A_348 = arith.constant 112 : index
      %parallel_loop3A_349 = tpu.vector_load %parallel_loop3A_346[%parallel_loop3A_347, %parallel_loop3A_348] {strides = array<i32>} : memref<128x128xf32, #tpu.memory_space<vmem>>, vector<16xf32>,
      %parallel_loop3A_350 = arith.constant 0 : i32
      %parallel_loop3A_351 = arith.constant 0 : i32
      %parallel_loop3A_352 = tpu.memref_slice %arg19[%parallel_loop3A_180, %parallel_loop3A_350, %parallel_loop3A_351] : memref<2x128x128xf32, #tpu.memory_space<vmem>> -> memref<1x128x128xf32, #tpu.memory_space<vmem>>
      %parallel_loop3A_353 = tpu.memref_squeeze %parallel_loop3A_352 : memref<1x128x128xf32, #tpu.memory_space<vmem>> -> memref<128x128xf32, #tpu.memory_space<vmem>>
      %parallel_loop3A_354 = arith.index_cast %parallel_loop3A_209 : i32 to index
      %parallel_loop3A_355 = arith.constant 112 : index
      %parallel_loop3A_356 = tpu.vector_load %parallel_loop3A_353[%parallel_loop3A_354, %parallel_loop3A_355] {strides = array<i32>} : memref<128x128xf32, #tpu.memory_space<vmem>>, vector<16xf32>,
      %parallel_loop3A_357 = arith.mulf %parallel_loop3A_349, %parallel_loop3A_356 : vector<16xf32>
      %parallel_loop3A_358 = arith.addf %parallel_loop3A_357, %parallel_loop3A_215 : vector<16xf32>
      %parallel_loop3A_359 = arith.mulf %parallel_loop3A_216, %parallel_loop3A_358 : vector<16xf32>
      %parallel_loop3A_360 = arith.mulf %parallel_loop3A_359, %parallel_loop3A_358 : vector<16xf32>
      %parallel_loop3A_361 = arith.addf %parallel_loop3A_234, %parallel_loop3A_252 : vector<16xf32>
      %parallel_loop3A_362 = arith.addf %parallel_loop3A_270, %parallel_loop3A_288 : vector<16xf32>
      %parallel_loop3A_363 = arith.addf %parallel_loop3A_306, %parallel_loop3A_324 : vector<16xf32>
      %parallel_loop3A_364 = arith.addf %parallel_loop3A_342, %parallel_loop3A_360 : vector<16xf32>
      %parallel_loop3A_365 = arith.addf %parallel_loop3A_361, %parallel_loop3A_362 : vector<16xf32>
      %parallel_loop3A_366 = arith.addf %parallel_loop3A_363, %parallel_loop3A_364 : vector<16xf32>
      %parallel_loop3A_367 = arith.addf %parallel_loop3A_365, %parallel_loop3A_366 : vector<16xf32>
      %parallel_loop3A_368 = arith.addf %parallel_loop3A_210, %parallel_loop3A_367 : vector<16xf32>
      scf.yield %parallel_loop3A_368 : vector<16xf32>
    } {sc.loop_unroll_factor = 2 : i64, sc.parallel_access}
    %dma_wait3A_182 = arith.constant 1 : i32
    %dma_wait3A_183 = arith.constant 0 : i32
    %dma_wait3A_184 = arith.constant 0 : i32
    %dma_wait3A_185 = tpu.memref_slice %arg18[%dma_wait3A_182, %dma_wait3A_183, %dma_wait3A_184] : memref<2x128x128xf32, #tpu.memory_space<vmem>> -> memref<1x128x128xf32, #tpu.memory_space<vmem>>
    %dma_wait3A_186 = tpu.memref_squeeze %dma_wait3A_185 : memref<1x128x128xf32, #tpu.memory_space<vmem>> -> memref<128x128xf32, #tpu.memory_space<vmem>>
    %dma_wait3A_187 = arith.constant 384 : i32
    %dma_wait3A_188 = tpu.memref_slice %arg10[%dma_wait3A_187] : memref<512xi32, #tpu.memory_space<vmem>> -> memref<128xi32, #tpu.memory_space<vmem>>
    %dma_wait3A_189 = arith.constant 0 : i32
    %dma_wait3A_190 = arith.constant 0 : i32
    %dma_wait3A_191 = tpu.memref_slice %arg21[%dma_wait3A_189, %dma_wait3A_190] : memref<1000x128xf32, #tpu.memory_space<vmem_shared>> -> memref<1000x128xf32, #tpu.memory_space<vmem_shared>>
    tpu.wait_indirect_dma semaphore(%arg27 : memref<!tpu.dma_semaphore, #tpu.memory_space<semaphore_mem>>) src(%dma_wait3A_191 : memref<1000x128xf32, #tpu.memory_space<vmem_shared>>) dst(%dma_wait3A_186 : memref<128x128xf32, #tpu.memory_space<vmem>>)
    %dma_wait3A_192 = arith.constant 1 : i32
    %dma_wait3A_193 = arith.constant 0 : i32
    %dma_wait3A_194 = arith.constant 0 : i32
    %dma_wait3A_195 = tpu.memref_slice %arg19[%dma_wait3A_192, %dma_wait3A_193, %dma_wait3A_194] : memref<2x128x128xf32, #tpu.memory_space<vmem>> -> memref<1x128x128xf32, #tpu.memory_space<vmem>>
    %dma_wait3A_196 = tpu.memref_squeeze %dma_wait3A_195 : memref<1x128x128xf32, #tpu.memory_space<vmem>> -> memref<128x128xf32, #tpu.memory_space<vmem>>
    %dma_wait3A_197 = arith.constant 384 : i32
    %dma_wait3A_198 = tpu.memref_slice %arg11[%dma_wait3A_197] : memref<512xi32, #tpu.memory_space<vmem>> -> memref<128xi32, #tpu.memory_space<vmem>>
    %dma_wait3A_199 = arith.constant 0 : i32
    %dma_wait3A_200 = arith.constant 0 : i32
    %dma_wait3A_201 = tpu.memref_slice %arg22[%dma_wait3A_199, %dma_wait3A_200] : memref<1000x128xf32, #tpu.memory_space<vmem_shared>> -> memref<1000x128xf32, #tpu.memory_space<vmem_shared>>
    tpu.wait_indirect_dma semaphore(%arg29 : memref<!tpu.dma_semaphore, #tpu.memory_space<semaphore_mem>>) src(%dma_wait3A_201 : memref<1000x128xf32, #tpu.memory_space<vmem_shared>>) dst(%dma_wait3A_196 : memref<128x128xf32, #tpu.memory_space<vmem>>)
    %parallel_loop3A_202 = arith.constant 0 : i32
    %parallel_loop3A_203 = arith.constant 128 : i32
    %parallel_loop3A_204 = arith.constant 1 : i32
    %parallel_loop3A_205 = arith.constant 1 : i32
    %parallel_loop3A_206 = arith.constant 1 : i32
    %parallel_loop3A_207 = scf.for %parallel_loop3A_209 = %parallel_loop3A_202 to %parallel_loop3A_203 step %parallel_loop3A_204 iter_args(%parallel_loop3A_210 = %parallel_loop3A_181) -> (vector<16xf32>)  : i32 {
      %parallel_loop3A_211 = arith.constant 384 : i32
      %parallel_loop3A_212 = vector.broadcast %parallel_loop3A_211 : i32 to vector<16xi32>
      %parallel_loop3A_213 = vector.broadcast %parallel_loop3A_209 : i32 to vector<16xi32>
      %parallel_loop3A_214 = arith.addi %parallel_loop3A_212, %parallel_loop3A_213 : vector<16xi32>
      %parallel_loop3A_215 = tpu.vector_load_idx %arg16[%parallel_loop3A_214] : memref<512xf32, #tpu.memory_space<vmem>>[vector<16xi32>], vector<16xf32>,
      %parallel_loop3A_216 = tpu.vector_load_idx %arg17[%parallel_loop3A_214] : memref<512xf32, #tpu.memory_space<vmem>>[vector<16xi32>], vector<16xf32>,
      %parallel_loop3A_217 = arith.constant 0 : i32
      %parallel_loop3A_218 = arith.constant 0 : i32
      %parallel_loop3A_219 = tpu.memref_slice %arg18[%parallel_loop3A_205, %parallel_loop3A_217, %parallel_loop3A_218] : memref<2x128x128xf32, #tpu.memory_space<vmem>> -> memref<1x128x128xf32, #tpu.memory_space<vmem>>
      %parallel_loop3A_220 = tpu.memref_squeeze %parallel_loop3A_219 : memref<1x128x128xf32, #tpu.memory_space<vmem>> -> memref<128x128xf32, #tpu.memory_space<vmem>>
      %parallel_loop3A_221 = arith.index_cast %parallel_loop3A_209 : i32 to index
      %parallel_loop3A_222 = arith.constant 0 : index
      %parallel_loop3A_223 = tpu.vector_load %parallel_loop3A_220[%parallel_loop3A_221, %parallel_loop3A_222] {strides = array<i32>} : memref<128x128xf32, #tpu.memory_space<vmem>>, vector<16xf32>,
      %parallel_loop3A_224 = arith.constant 0 : i32
      %parallel_loop3A_225 = arith.constant 0 : i32
      %parallel_loop3A_226 = tpu.memref_slice %arg19[%parallel_loop3A_206, %parallel_loop3A_224, %parallel_loop3A_225] : memref<2x128x128xf32, #tpu.memory_space<vmem>> -> memref<1x128x128xf32, #tpu.memory_space<vmem>>
      %parallel_loop3A_227 = tpu.memref_squeeze %parallel_loop3A_226 : memref<1x128x128xf32, #tpu.memory_space<vmem>> -> memref<128x128xf32, #tpu.memory_space<vmem>>
      %parallel_loop3A_228 = arith.index_cast %parallel_loop3A_209 : i32 to index
      %parallel_loop3A_229 = arith.constant 0 : index
      %parallel_loop3A_230 = tpu.vector_load %parallel_loop3A_227[%parallel_loop3A_228, %parallel_loop3A_229] {strides = array<i32>} : memref<128x128xf32, #tpu.memory_space<vmem>>, vector<16xf32>,
      %parallel_loop3A_231 = arith.mulf %parallel_loop3A_223, %parallel_loop3A_230 : vector<16xf32>
      %parallel_loop3A_232 = arith.addf %parallel_loop3A_231, %parallel_loop3A_215 : vector<16xf32>
      %parallel_loop3A_233 = arith.mulf %parallel_loop3A_216, %parallel_loop3A_232 : vector<16xf32>
      %parallel_loop3A_234 = arith.mulf %parallel_loop3A_233, %parallel_loop3A_232 : vector<16xf32>
      %parallel_loop3A_235 = arith.constant 0 : i32
      %parallel_loop3A_236 = arith.constant 0 : i32
      %parallel_loop3A_237 = tpu.memref_slice %arg18[%parallel_loop3A_205, %parallel_loop3A_235, %parallel_loop3A_236] : memref<2x128x128xf32, #tpu.memory_space<vmem>> -> memref<1x128x128xf32, #tpu.memory_space<vmem>>
      %parallel_loop3A_238 = tpu.memref_squeeze %parallel_loop3A_237 : memref<1x128x128xf32, #tpu.memory_space<vmem>> -> memref<128x128xf32, #tpu.memory_space<vmem>>
      %parallel_loop3A_239 = arith.index_cast %parallel_loop3A_209 : i32 to index
      %parallel_loop3A_240 = arith.constant 16 : index
      %parallel_loop3A_241 = tpu.vector_load %parallel_loop3A_238[%parallel_loop3A_239, %parallel_loop3A_240] {strides = array<i32>} : memref<128x128xf32, #tpu.memory_space<vmem>>, vector<16xf32>,
      %parallel_loop3A_242 = arith.constant 0 : i32
      %parallel_loop3A_243 = arith.constant 0 : i32
      %parallel_loop3A_244 = tpu.memref_slice %arg19[%parallel_loop3A_206, %parallel_loop3A_242, %parallel_loop3A_243] : memref<2x128x128xf32, #tpu.memory_space<vmem>> -> memref<1x128x128xf32, #tpu.memory_space<vmem>>
      %parallel_loop3A_245 = tpu.memref_squeeze %parallel_loop3A_244 : memref<1x128x128xf32, #tpu.memory_space<vmem>> -> memref<128x128xf32, #tpu.memory_space<vmem>>
      %parallel_loop3A_246 = arith.index_cast %parallel_loop3A_209 : i32 to index
      %parallel_loop3A_247 = arith.constant 16 : index
      %parallel_loop3A_248 = tpu.vector_load %parallel_loop3A_245[%parallel_loop3A_246, %parallel_loop3A_247] {strides = array<i32>} : memref<128x128xf32, #tpu.memory_space<vmem>>, vector<16xf32>,
      %parallel_loop3A_249 = arith.mulf %parallel_loop3A_241, %parallel_loop3A_248 : vector<16xf32>
      %parallel_loop3A_250 = arith.addf %parallel_loop3A_249, %parallel_loop3A_215 : vector<16xf32>
      %parallel_loop3A_251 = arith.mulf %parallel_loop3A_216, %parallel_loop3A_250 : vector<16xf32>
      %parallel_loop3A_252 = arith.mulf %parallel_loop3A_251, %parallel_loop3A_250 : vector<16xf32>
      %parallel_loop3A_253 = arith.constant 0 : i32
      %parallel_loop3A_254 = arith.constant 0 : i32
      %parallel_loop3A_255 = tpu.memref_slice %arg18[%parallel_loop3A_205, %parallel_loop3A_253, %parallel_loop3A_254] : memref<2x128x128xf32, #tpu.memory_space<vmem>> -> memref<1x128x128xf32, #tpu.memory_space<vmem>>
      %parallel_loop3A_256 = tpu.memref_squeeze %parallel_loop3A_255 : memref<1x128x128xf32, #tpu.memory_space<vmem>> -> memref<128x128xf32, #tpu.memory_space<vmem>>
      %parallel_loop3A_257 = arith.index_cast %parallel_loop3A_209 : i32 to index
      %parallel_loop3A_258 = arith.constant 32 : index
      %parallel_loop3A_259 = tpu.vector_load %parallel_loop3A_256[%parallel_loop3A_257, %parallel_loop3A_258] {strides = array<i32>} : memref<128x128xf32, #tpu.memory_space<vmem>>, vector<16xf32>,
      %parallel_loop3A_260 = arith.constant 0 : i32
      %parallel_loop3A_261 = arith.constant 0 : i32
      %parallel_loop3A_262 = tpu.memref_slice %arg19[%parallel_loop3A_206, %parallel_loop3A_260, %parallel_loop3A_261] : memref<2x128x128xf32, #tpu.memory_space<vmem>> -> memref<1x128x128xf32, #tpu.memory_space<vmem>>
      %parallel_loop3A_263 = tpu.memref_squeeze %parallel_loop3A_262 : memref<1x128x128xf32, #tpu.memory_space<vmem>> -> memref<128x128xf32, #tpu.memory_space<vmem>>
      %parallel_loop3A_264 = arith.index_cast %parallel_loop3A_209 : i32 to index
      %parallel_loop3A_265 = arith.constant 32 : index
      %parallel_loop3A_266 = tpu.vector_load %parallel_loop3A_263[%parallel_loop3A_264, %parallel_loop3A_265] {strides = array<i32>} : memref<128x128xf32, #tpu.memory_space<vmem>>, vector<16xf32>,
      %parallel_loop3A_267 = arith.mulf %parallel_loop3A_259, %parallel_loop3A_266 : vector<16xf32>
      %parallel_loop3A_268 = arith.addf %parallel_loop3A_267, %parallel_loop3A_215 : vector<16xf32>
      %parallel_loop3A_269 = arith.mulf %parallel_loop3A_216, %parallel_loop3A_268 : vector<16xf32>
      %parallel_loop3A_270 = arith.mulf %parallel_loop3A_269, %parallel_loop3A_268 : vector<16xf32>
      %parallel_loop3A_271 = arith.constant 0 : i32
      %parallel_loop3A_272 = arith.constant 0 : i32
      %parallel_loop3A_273 = tpu.memref_slice %arg18[%parallel_loop3A_205, %parallel_loop3A_271, %parallel_loop3A_272] : memref<2x128x128xf32, #tpu.memory_space<vmem>> -> memref<1x128x128xf32, #tpu.memory_space<vmem>>
      %parallel_loop3A_274 = tpu.memref_squeeze %parallel_loop3A_273 : memref<1x128x128xf32, #tpu.memory_space<vmem>> -> memref<128x128xf32, #tpu.memory_space<vmem>>
      %parallel_loop3A_275 = arith.index_cast %parallel_loop3A_209 : i32 to index
      %parallel_loop3A_276 = arith.constant 48 : index
      %parallel_loop3A_277 = tpu.vector_load %parallel_loop3A_274[%parallel_loop3A_275, %parallel_loop3A_276] {strides = array<i32>} : memref<128x128xf32, #tpu.memory_space<vmem>>, vector<16xf32>,
      %parallel_loop3A_278 = arith.constant 0 : i32
      %parallel_loop3A_279 = arith.constant 0 : i32
      %parallel_loop3A_280 = tpu.memref_slice %arg19[%parallel_loop3A_206, %parallel_loop3A_278, %parallel_loop3A_279] : memref<2x128x128xf32, #tpu.memory_space<vmem>> -> memref<1x128x128xf32, #tpu.memory_space<vmem>>
      %parallel_loop3A_281 = tpu.memref_squeeze %parallel_loop3A_280 : memref<1x128x128xf32, #tpu.memory_space<vmem>> -> memref<128x128xf32, #tpu.memory_space<vmem>>
      %parallel_loop3A_282 = arith.index_cast %parallel_loop3A_209 : i32 to index
      %parallel_loop3A_283 = arith.constant 48 : index
      %parallel_loop3A_284 = tpu.vector_load %parallel_loop3A_281[%parallel_loop3A_282, %parallel_loop3A_283] {strides = array<i32>} : memref<128x128xf32, #tpu.memory_space<vmem>>, vector<16xf32>,
      %parallel_loop3A_285 = arith.mulf %parallel_loop3A_277, %parallel_loop3A_284 : vector<16xf32>
      %parallel_loop3A_286 = arith.addf %parallel_loop3A_285, %parallel_loop3A_215 : vector<16xf32>
      %parallel_loop3A_287 = arith.mulf %parallel_loop3A_216, %parallel_loop3A_286 : vector<16xf32>
      %parallel_loop3A_288 = arith.mulf %parallel_loop3A_287, %parallel_loop3A_286 : vector<16xf32>
      %parallel_loop3A_289 = arith.constant 0 : i32
      %parallel_loop3A_290 = arith.constant 0 : i32
      %parallel_loop3A_291 = tpu.memref_slice %arg18[%parallel_loop3A_205, %parallel_loop3A_289, %parallel_loop3A_290] : memref<2x128x128xf32, #tpu.memory_space<vmem>> -> memref<1x128x128xf32, #tpu.memory_space<vmem>>
      %parallel_loop3A_292 = tpu.memref_squeeze %parallel_loop3A_291 : memref<1x128x128xf32, #tpu.memory_space<vmem>> -> memref<128x128xf32, #tpu.memory_space<vmem>>
      %parallel_loop3A_293 = arith.index_cast %parallel_loop3A_209 : i32 to index
      %parallel_loop3A_294 = arith.constant 64 : index
      %parallel_loop3A_295 = tpu.vector_load %parallel_loop3A_292[%parallel_loop3A_293, %parallel_loop3A_294] {strides = array<i32>} : memref<128x128xf32, #tpu.memory_space<vmem>>, vector<16xf32>,
      %parallel_loop3A_296 = arith.constant 0 : i32
      %parallel_loop3A_297 = arith.constant 0 : i32
      %parallel_loop3A_298 = tpu.memref_slice %arg19[%parallel_loop3A_206, %parallel_loop3A_296, %parallel_loop3A_297] : memref<2x128x128xf32, #tpu.memory_space<vmem>> -> memref<1x128x128xf32, #tpu.memory_space<vmem>>
      %parallel_loop3A_299 = tpu.memref_squeeze %parallel_loop3A_298 : memref<1x128x128xf32, #tpu.memory_space<vmem>> -> memref<128x128xf32, #tpu.memory_space<vmem>>
      %parallel_loop3A_300 = arith.index_cast %parallel_loop3A_209 : i32 to index
      %parallel_loop3A_301 = arith.constant 64 : index
      %parallel_loop3A_302 = tpu.vector_load %parallel_loop3A_299[%parallel_loop3A_300, %parallel_loop3A_301] {strides = array<i32>} : memref<128x128xf32, #tpu.memory_space<vmem>>, vector<16xf32>,
      %parallel_loop3A_303 = arith.mulf %parallel_loop3A_295, %parallel_loop3A_302 : vector<16xf32>
      %parallel_loop3A_304 = arith.addf %parallel_loop3A_303, %parallel_loop3A_215 : vector<16xf32>
      %parallel_loop3A_305 = arith.mulf %parallel_loop3A_216, %parallel_loop3A_304 : vector<16xf32>
      %parallel_loop3A_306 = arith.mulf %parallel_loop3A_305, %parallel_loop3A_304 : vector<16xf32>
      %parallel_loop3A_307 = arith.constant 0 : i32
      %parallel_loop3A_308 = arith.constant 0 : i32
      %parallel_loop3A_309 = tpu.memref_slice %arg18[%parallel_loop3A_205, %parallel_loop3A_307, %parallel_loop3A_308] : memref<2x128x128xf32, #tpu.memory_space<vmem>> -> memref<1x128x128xf32, #tpu.memory_space<vmem>>
      %parallel_loop3A_310 = tpu.memref_squeeze %parallel_loop3A_309 : memref<1x128x128xf32, #tpu.memory_space<vmem>> -> memref<128x128xf32, #tpu.memory_space<vmem>>
      %parallel_loop3A_311 = arith.index_cast %parallel_loop3A_209 : i32 to index
      %parallel_loop3A_312 = arith.constant 80 : index
      %parallel_loop3A_313 = tpu.vector_load %parallel_loop3A_310[%parallel_loop3A_311, %parallel_loop3A_312] {strides = array<i32>} : memref<128x128xf32, #tpu.memory_space<vmem>>, vector<16xf32>,
      %parallel_loop3A_314 = arith.constant 0 : i32
      %parallel_loop3A_315 = arith.constant 0 : i32
      %parallel_loop3A_316 = tpu.memref_slice %arg19[%parallel_loop3A_206, %parallel_loop3A_314, %parallel_loop3A_315] : memref<2x128x128xf32, #tpu.memory_space<vmem>> -> memref<1x128x128xf32, #tpu.memory_space<vmem>>
      %parallel_loop3A_317 = tpu.memref_squeeze %parallel_loop3A_316 : memref<1x128x128xf32, #tpu.memory_space<vmem>> -> memref<128x128xf32, #tpu.memory_space<vmem>>
      %parallel_loop3A_318 = arith.index_cast %parallel_loop3A_209 : i32 to index
      %parallel_loop3A_319 = arith.constant 80 : index
      %parallel_loop3A_320 = tpu.vector_load %parallel_loop3A_317[%parallel_loop3A_318, %parallel_loop3A_319] {strides = array<i32>} : memref<128x128xf32, #tpu.memory_space<vmem>>, vector<16xf32>,
      %parallel_loop3A_321 = arith.mulf %parallel_loop3A_313, %parallel_loop3A_320 : vector<16xf32>
      %parallel_loop3A_322 = arith.addf %parallel_loop3A_321, %parallel_loop3A_215 : vector<16xf32>
      %parallel_loop3A_323 = arith.mulf %parallel_loop3A_216, %parallel_loop3A_322 : vector<16xf32>
      %parallel_loop3A_324 = arith.mulf %parallel_loop3A_323, %parallel_loop3A_322 : vector<16xf32>
      %parallel_loop3A_325 = arith.constant 0 : i32
      %parallel_loop3A_326 = arith.constant 0 : i32
      %parallel_loop3A_327 = tpu.memref_slice %arg18[%parallel_loop3A_205, %parallel_loop3A_325, %parallel_loop3A_326] : memref<2x128x128xf32, #tpu.memory_space<vmem>> -> memref<1x128x128xf32, #tpu.memory_space<vmem>>
      %parallel_loop3A_328 = tpu.memref_squeeze %parallel_loop3A_327 : memref<1x128x128xf32, #tpu.memory_space<vmem>> -> memref<128x128xf32, #tpu.memory_space<vmem>>
      %parallel_loop3A_329 = arith.index_cast %parallel_loop3A_209 : i32 to index
      %parallel_loop3A_330 = arith.constant 96 : index
      %parallel_loop3A_331 = tpu.vector_load %parallel_loop3A_328[%parallel_loop3A_329, %parallel_loop3A_330] {strides = array<i32>} : memref<128x128xf32, #tpu.memory_space<vmem>>, vector<16xf32>,
      %parallel_loop3A_332 = arith.constant 0 : i32
      %parallel_loop3A_333 = arith.constant 0 : i32
      %parallel_loop3A_334 = tpu.memref_slice %arg19[%parallel_loop3A_206, %parallel_loop3A_332, %parallel_loop3A_333] : memref<2x128x128xf32, #tpu.memory_space<vmem>> -> memref<1x128x128xf32, #tpu.memory_space<vmem>>
      %parallel_loop3A_335 = tpu.memref_squeeze %parallel_loop3A_334 : memref<1x128x128xf32, #tpu.memory_space<vmem>> -> memref<128x128xf32, #tpu.memory_space<vmem>>
      %parallel_loop3A_336 = arith.index_cast %parallel_loop3A_209 : i32 to index
      %parallel_loop3A_337 = arith.constant 96 : index
      %parallel_loop3A_338 = tpu.vector_load %parallel_loop3A_335[%parallel_loop3A_336, %parallel_loop3A_337] {strides = array<i32>} : memref<128x128xf32, #tpu.memory_space<vmem>>, vector<16xf32>,
      %parallel_loop3A_339 = arith.mulf %parallel_loop3A_331, %parallel_loop3A_338 : vector<16xf32>
      %parallel_loop3A_340 = arith.addf %parallel_loop3A_339, %parallel_loop3A_215 : vector<16xf32>
      %parallel_loop3A_341 = arith.mulf %parallel_loop3A_216, %parallel_loop3A_340 : vector<16xf32>
      %parallel_loop3A_342 = arith.mulf %parallel_loop3A_341, %parallel_loop3A_340 : vector<16xf32>
      %parallel_loop3A_343 = arith.constant 0 : i32
      %parallel_loop3A_344 = arith.constant 0 : i32
      %parallel_loop3A_345 = tpu.memref_slice %arg18[%parallel_loop3A_205, %parallel_loop3A_343, %parallel_loop3A_344] : memref<2x128x128xf32, #tpu.memory_space<vmem>> -> memref<1x128x128xf32, #tpu.memory_space<vmem>>
      %parallel_loop3A_346 = tpu.memref_squeeze %parallel_loop3A_345 : memref<1x128x128xf32, #tpu.memory_space<vmem>> -> memref<128x128xf32, #tpu.memory_space<vmem>>
      %parallel_loop3A_347 = arith.index_cast %parallel_loop3A_209 : i32 to index
      %parallel_loop3A_348 = arith.constant 112 : index
      %parallel_loop3A_349 = tpu.vector_load %parallel_loop3A_346[%parallel_loop3A_347, %parallel_loop3A_348] {strides = array<i32>} : memref<128x128xf32, #tpu.memory_space<vmem>>, vector<16xf32>,
      %parallel_loop3A_350 = arith.constant 0 : i32
      %parallel_loop3A_351 = arith.constant 0 : i32
      %parallel_loop3A_352 = tpu.memref_slice %arg19[%parallel_loop3A_206, %parallel_loop3A_350, %parallel_loop3A_351] : memref<2x128x128xf32, #tpu.memory_space<vmem>> -> memref<1x128x128xf32, #tpu.memory_space<vmem>>
      %parallel_loop3A_353 = tpu.memref_squeeze %parallel_loop3A_352 : memref<1x128x128xf32, #tpu.memory_space<vmem>> -> memref<128x128xf32, #tpu.memory_space<vmem>>
      %parallel_loop3A_354 = arith.index_cast %parallel_loop3A_209 : i32 to index
      %parallel_loop3A_355 = arith.constant 112 : index
      %parallel_loop3A_356 = tpu.vector_load %parallel_loop3A_353[%parallel_loop3A_354, %parallel_loop3A_355] {strides = array<i32>} : memref<128x128xf32, #tpu.memory_space<vmem>>, vector<16xf32>,
      %parallel_loop3A_357 = arith.mulf %parallel_loop3A_349, %parallel_loop3A_356 : vector<16xf32>
      %parallel_loop3A_358 = arith.addf %parallel_loop3A_357, %parallel_loop3A_215 : vector<16xf32>
      %parallel_loop3A_359 = arith.mulf %parallel_loop3A_216, %parallel_loop3A_358 : vector<16xf32>
      %parallel_loop3A_360 = arith.mulf %parallel_loop3A_359, %parallel_loop3A_358 : vector<16xf32>
      %parallel_loop3A_361 = arith.addf %parallel_loop3A_234, %parallel_loop3A_252 : vector<16xf32>
      %parallel_loop3A_362 = arith.addf %parallel_loop3A_270, %parallel_loop3A_288 : vector<16xf32>
      %parallel_loop3A_363 = arith.addf %parallel_loop3A_306, %parallel_loop3A_324 : vector<16xf32>
      %parallel_loop3A_364 = arith.addf %parallel_loop3A_342, %parallel_loop3A_360 : vector<16xf32>
      %parallel_loop3A_365 = arith.addf %parallel_loop3A_361, %parallel_loop3A_362 : vector<16xf32>
      %parallel_loop3A_366 = arith.addf %parallel_loop3A_363, %parallel_loop3A_364 : vector<16xf32>
      %parallel_loop3A_367 = arith.addf %parallel_loop3A_365, %parallel_loop3A_366 : vector<16xf32>
      %parallel_loop3A_368 = arith.addf %parallel_loop3A_210, %parallel_loop3A_367 : vector<16xf32>
      scf.yield %parallel_loop3A_368 : vector<16xf32>
    } {sc.loop_unroll_factor = 2 : i64, sc.parallel_access}
    %swap3A = arith.constant 0 : index
    %swap3A_208 = tpu.vector_load %arg20[%swap3A] {strides = array<i32>} : memref<16xf32, #tpu.memory_space<vmem>>, vector<16xf32>,
    tpu.vector_store %arg20[%swap3A], %parallel_loop3A_207 {strides = array<i32>} : memref<16xf32, #tpu.memory_space<vmem>>, vector<16xf32>,
    "tpu.region"() ({
      %run_scoped3A = tpu.sem_alloc : memref<!tpu.dma_semaphore, #tpu.memory_space<semaphore_mem>>
      %dma_start3A_209 = arith.constant 0 : i32
      %dma_start3A_210 = tpu.memref_slice %arg9[%add3A, %dma_start3A_209] : memref<32x16xf32, #tpu.memory_space<hbm>> -> memref<1x16xf32, #tpu.memory_space<hbm>>
      %dma_start3A_211 = tpu.memref_squeeze %dma_start3A_210 : memref<1x16xf32, #tpu.memory_space<hbm>> -> memref<16xf32, #tpu.memory_space<hbm>>
      %dma_start3A_212 = arith.constant 0 : i32
      %dma_start3A_213 = tpu.memref_slice %arg9[%add3A, %dma_start3A_212] : memref<32x16xf32, #tpu.memory_space<hbm>> -> memref<1x16xf32, #tpu.memory_space<hbm>>
      %dma_start3A_214 = tpu.memref_squeeze %dma_start3A_213 : memref<1x16xf32, #tpu.memory_space<hbm>> -> memref<16xf32, #tpu.memory_space<hbm>>
      tpu.enqueue_dma source(%arg20 : memref<16xf32, #tpu.memory_space<vmem>>) target(%dma_start3A_214 : memref<16xf32, #tpu.memory_space<hbm>>) target_semaphore(%run_scoped3A : memref<!tpu.dma_semaphore, #tpu.memory_space<semaphore_mem>>)
      %dma_wait3A_215 = arith.constant 0 : i32
      %dma_wait3A_216 = tpu.memref_slice %arg9[%add3A, %dma_wait3A_215] : memref<32x16xf32, #tpu.memory_space<hbm>> -> memref<1x16xf32, #tpu.memory_space<hbm>>
      %dma_wait3A_217 = tpu.memref_squeeze %dma_wait3A_216 : memref<1x16xf32, #tpu.memory_space<hbm>> -> memref<16xf32, #tpu.memory_space<hbm>>
      %dma_wait3A_218 = arith.constant 0 : i32
      %dma_wait3A_219 = tpu.memref_slice %arg9[%add3A, %dma_wait3A_218] : memref<32x16xf32, #tpu.memory_space<hbm>> -> memref<1x16xf32, #tpu.memory_space<hbm>>
      %dma_wait3A_220 = tpu.memref_squeeze %dma_wait3A_219 : memref<1x16xf32, #tpu.memory_space<hbm>> -> memref<16xf32, #tpu.memory_space<hbm>>
      tpu.wait_dma2 semaphore(%run_scoped3A : memref<!tpu.dma_semaphore, #tpu.memory_space<semaphore_mem>>) src(%arg20 : memref<16xf32, #tpu.memory_space<vmem>>) dst(%dma_wait3A_220 : memref<16xf32, #tpu.memory_space<hbm>>)
      tpu.yield
    }) : () -> ()
    return
  }
}

</mosaic_0001>

<sc_bundles>
// kernel: _glove.3.cloned.1.call-start
scs
__scs_entry_jumppad:
0x0: {  	(pc) =	sbr.rel $0x88, $3  }
0x1: {  	(tag) =	ssettag $0x0;
	lr =	simm.s32 $0x1  }
0x2: {  	[smem:$0x3F9A] =	sst lr;
	_ =	strace $0xD0000000  }
0x3: {  	_ = 	snop  }
0x4: {  	_ = 	snop  }
0x5: {  	_ = 	snop  }
0x6: {  	_ = 	snop  }
0x7: {  	_ = 	snop  }
__scs_overlays_trampoline_lowered:
0x8: {  	[smem:$0x3FA9] =	sst s0  }
0x9: {  	[smem:$0x3FAA] =	sst s1  }
0xa: {  	[smem:$0x3FAB] =	sst s2  }
0xb: {  	[smem:$0x3FAC] =	sst s3  }
0xc: {  	[smem:$0x3FAD] =	sst s4  }
0xd: {  	[smem:$0x3FAE] =	sst s5  }
0xe: {  	[smem:$0x3FAF] =	sst s6  }
0xf: {  	[smem:$0x3FB0] =	sst s7  }
0x10: {  	[smem:$0x3FB1] =	sst s8  }
0x11: {  	[smem:$0x3FB2] =	sst s9;
	s0 =	simm.s32 @!p0 $0x0  }
0x12: {  	s1 =	sld [smem:$0x3F98];
	s0 =	simm.s32 @p0 $0x1  }
0x13: {  	[smem:$0x3FB3] =	sst s0;
	s0 =	simm.s32 @!p1 $0x0  }
0x14: {  	s2 =	sld [smem:$0x3F97];
	s0 =	simm.s32 @p1 $0x1  }
0x15: {  	[smem:$0x3FB4] =	sst s0;
	s0 =	simm.s32 @!p2 $0x0  }
0x16: {  	s3 =	sld [smem:$0x3FDB];
	s0 =	simm.s32 @p2 $0x1  }
0x17: {  	s4 =	simm.s32 $0x1BF5;
	[smem:$0x3FB6] =	sst s0  }
0x18: {  	s0 =	sld [smem:$0x3F99];
	_ =	swait.ge [sflag:s4], $0x0  }
0x19: {  	s7 =	sld [smem:$0x3F9A]  }
0x1a: {  	s8 =	sadd.s32 $0xFFFFE003, lr  }
0x1b: {  	s9 =	sadd.s32 $0xFFFFFEF7, lr;
	s5 =	simm.s32 $0xFFFFFFFF;
	p2 =	slt.u32 s8, $0xFFFFF086  }
0x1c: {  	p1 =	slt.u32 s9, $0xF7A;
	s5 =	simm.s32 @!p2 $0x0  }
0x1d: {  	s5 =	simm.s32 @p1 $0x1;
	p0 =	seq.s32 s7, s2  }
0x1e: {  	s7 =	smul.u32 @!p0 $0xF7A, s2;
	p2 =	seq.s32 @!p0 s5, $0x0  }
0x1f: {  	s9 =	smul.u32 $0xF7A, s1;
	s8 =	simm.s32 @!p0 $0x1BF5;
	p2 =	por !p2, p0  }
0x20: {  	[sflag:s8] =	ssyncset.s32 @!p0 $0xFFFFF086;
	s6 =	sadd.s32 @!p0 s3, s7;
	s7 =	simm.s32 @!p0 $0x108  }
0x21: {  	s3 =	sadd.s32 s3, s9;
	s6 =	sadd.s32 @!p0 $0x88, s6;
	s7 =	simm.s32 @p2 $0x1082  }
0x22: {  	[simem:s7], [sflag:s8] =	dma.local @!p0 [hbm:s6], $0xF7A  }
0x23: {  	s9 =	sor.u32 $0xD0000000, s2;
	s6 =	simm.s32 $0x108;
	_ =	swait.ge @!p0 [sflag:s8], $0x0  }
0x24: {  	s3 =	sadd.s32 $0x88, s3;
	s6 =	simm.s32 @!p1 $0x1082;
	[sflag:s4] =	ssyncset.s32 $0xFFFFF086  }
0x25: {  	[simem:s6], [sflag:s4] =	dma.local [hbm:s3], $0xF7A  }
0x26: {  	[smem:$0x3F9A] =	sst s1;
	(tag) =	ssettag s2;
	_ =	strace s9  }
0x27: {  	s1 =	sld [smem:$0x3FAA]  }
0x28: {  	s2 =	sld [smem:$0x3FAB]  }
0x29: {  	s4 =	sld [smem:$0x3FAD]  }
0x2a: {  	p0 =	seq.s32 s5, $0x0;
	s5 =	sld [smem:$0x3FAE]  }
0x2b: {  	s6 =	sld [smem:$0x3FAF]  }
0x2c: {  	s7 =	sld [smem:$0x3FB0]  }
0x2d: {  	s3 =	simm.s32 $0x108;
	s8 =	sld [smem:$0x3FB1]  }
0x2e: {  	s3 =	simm.s32 @!p0 $0x1082;
	s9 =	sld [smem:$0x3FB2]  }
0x2f: {  	lr =	sadd.s32 s0, s3;
	s0 =	sld [smem:$0x3FA9]  }
0x30: {  	s3 =	sld [smem:$0x3FAC]  }
0x31: {  	[smem:$0x3FB5] =	sst s10  }
0x32: {  	s10 =	sld [smem:$0x3FB3];
	_ =	sdelay $0x3  }
0x33: {  	p0 =	seq.s32 s10, $0x1;
	s10 =	sld [smem:$0x3FB5];
	_ =	sdelay $0x3  }
0x34: {  	[smem:$0x3FB5] =	sst s10  }
0x35: {  	s10 =	sld [smem:$0x3FB4];
	_ =	sdelay $0x3  }
0x36: {  	p1 =	seq.s32 s10, $0x1;
	s10 =	sld [smem:$0x3FB5];
	_ =	sdelay $0x3  }
0x37: {  	[smem:$0x3FB5] =	sst s10  }
0x38: {  	s10 =	sld [smem:$0x3FB6]  }
0x39: {  	_ = 	snop;
	(pc) =	sbr.ind lr, $3  }
0x3a: {  	_ = 	snop  }
0x3b: {  	_ = 	snop  }
0x3c: {  	p2 =	seq.s32 s10, $0x1;
	s10 =	sld [smem:$0x3FB5]  }
0x3d: {  	_ =	shalt  }
0x3e: {  	_ =	shalt  }
0x3f: {  	_ =	shalt  }
0x40: {  	_ =	shalt  }
0x41: {  	_ =	shalt  }
0x42: {  	_ =	shalt  }
0x43: {  	_ =	shalt  }
0x44: {  	_ =	shalt  }
0x45: {  	_ =	shalt  }
0x46: {  	_ =	shalt  }
0x47: {  	_ =	shalt  }
0x48: {  	_ =	shalt  }
0x49: {  	_ =	shalt  }
0x4a: {  	_ =	shalt  }
0x4b: {  	_ =	shalt  }
0x4c: {  	_ =	shalt  }
0x4d: {  	_ =	shalt  }
0x4e: {  	_ =	shalt  }
0x4f: {  	_ =	shalt  }
0x50: {  	_ =	shalt  }
0x51: {  	_ =	shalt  }
0x52: {  	_ =	shalt  }
0x53: {  	_ =	shalt  }
0x54: {  	_ =	shalt  }
0x55: {  	_ =	shalt  }
0x56: {  	_ =	shalt  }
0x57: {  	_ =	shalt  }
0x58: {  	_ =	shalt  }
0x59: {  	_ =	shalt  }
0x5a: {  	_ =	shalt  }
0x5b: {  	_ =	shalt  }
0x5c: {  	_ =	shalt  }
0x5d: {  	_ =	shalt  }
0x5e: {  	_ =	shalt  }
0x5f: {  	_ =	shalt  }
0x60: {  	_ =	shalt  }
0x61: {  	_ =	shalt  }
0x62: {  	_ =	shalt  }
0x63: {  	_ =	shalt  }
0x64: {  	_ =	shalt  }
0x65: {  	_ =	shalt  }
0x66: {  	_ =	shalt  }
0x67: {  	_ =	shalt  }
0x68: {  	_ =	shalt  }
0x69: {  	_ =	shalt  }
0x6a: {  	_ =	shalt  }
0x6b: {  	_ =	shalt  }
0x6c: {  	_ =	shalt  }
0x6d: {  	_ =	shalt  }
0x6e: {  	_ =	shalt  }
0x6f: {  	_ =	shalt  }
0x70: {  	_ =	shalt  }
0x71: {  	_ =	shalt  }
0x72: {  	_ =	shalt  }
0x73: {  	_ =	shalt  }
0x74: {  	_ =	shalt  }
0x75: {  	_ =	shalt  }
0x76: {  	_ =	shalt  }
0x77: {  	_ =	shalt  }
0x78: {  	_ =	shalt  }
0x79: {  	_ =	shalt  }
0x7a: {  	_ =	shalt  }
0x7b: {  	_ =	shalt  }
0x7c: {  	_ =	shalt  }
0x7d: {  	_ =	shalt  }
0x7e: {  	_ =	shalt  }
0x7f: {  	_ =	shalt  }
0x80: {  	_ =	shalt  }
0x81: {  	_ =	shalt  }
0x82: {  	_ =	shalt  }
0x83: {  	_ =	shalt  }
0x84: {  	_ =	shalt  }
0x85: {  	_ =	shalt  }
0x86: {  	_ =	shalt  }
0x87: {  	_ =	shalt  }
.Lfunc_end0:
.L_simem_size_0:
called_computation_lowered:
.L_overlay_start_0:
0x88: {  	s2 =	sld [smem:$0x3FD9]  }
0x89: {  	s3 =	sld [smem:$0x3FFE];
	_ =	sdelay $0x1  }
0x8a: {  	s1 =	srdreg.scid  }
0x8b: {  	s0 =	sand.u32 $0x1, s1  }
0x8c: {  	s17 =	sshll.u32 s0, $0xA;
	s2 =	sadd.s32 s3, s2  }
0x8d: {  	s2 =	sadd.s32 s2, s17  }
0x8e: {  	[smem:$0x3FC1] =	sst s2  }
0x8f: {  	_ = 	snop  }
0x90: {  	s2 =	sld [smem:$0x3FC9]  }
0x91: {  	s18 =	sld [smem:$0x3FC8]  }
0x92: {  	s4 =	sld [smem:$0x3FC7]  }
0x93: {  	s5 =	sld [smem:$0x3FC6]  }
0x94: {  	s6 =	sld [smem:$0x3FC5]  }
0x95: {  	s7 =	sld [smem:$0x3FC4]  }
0x96: {  	s8 =	sld [smem:$0x3FC3];
	(tm) =	ssettm $0x1  }
0x97: {  	s9 =	sld [smem:$0x3FFB];
	_ =	sdelay $0x3  }
0x98: {  	_ =	strace s9  }
0x99: {  	s9 =	sld [smem:$0x3FFC];
	_ =	sdelay $0x3  }
0x9a: {  	_ =	strace s9  }
0x9b: {  	s9 =	sld [smem:$0x3FFD];
	_ =	sdelay $0x3  }
0x9c: {  	_ =	strace s9  }
0x9d: {  	_ =	strace $0x8FFFFFFF  }
0x9e: {  	s19 =	sld [smem:$0x3FDB];
	_ =	sdelay $0x1  }
0x9f: {  	s10 =	simm.s32 $_scs_section_size  }
0xa0: {  	s11 =	simm.s32 $_size__tile_overlayer_lowered;
	s12 =	simm.s32 $_tile_overlayer_lowered  }
0xa1: {  	s22 =	simm.s32 $0x1BFF;
	s21 =	sshll.u32 s12, $0x1;
	s9 =	sadd.s32 s10, s19  }
0xa2: {  	s13 =	simm.s32 $0x0;
	s20 =	sshll.u32 s11, $0x1;
	s11 =	sadd.s32 s21, s9  }
0xa3: {  	[timem:s13], [sflag:s22] =	dma.local [hbm:s11], s20  }
0xa4: {  	_ =	swait.ge [sflag:s22], s20  }
0xa5: {  	s10 =	ssub.s32 $0x0, s20;
	[sflag:s22] =	ssyncset.done $0x0  }
0xa6: {  	[sflag:s22] =	ssyncadd.s32 s10;
	_ =	sdelay $0x1  }
0xa7: {  	s23 =	simm.s32 $0x1B8B  }
0xa8: {  	_ =	swait.ge [sflag:s23], $0x1  }
0xa9: {  	[sflag:s23] =	ssyncset.done $0x0  }
0xaa: {  	s25 =	simm.s32 $0x1B8E;
	s24 =	sld [smem:$0x3FFE];
	[sflag:s23] =	ssyncadd.s32 $0xFFFFFFFF  }
0xab: {  	s26 =	simm.s32 $execute0_lowered;
	[smem:$0x3FD2] =	sst s25  }
0xac: {  	s11 =	sshll.u32 s26, $0x1;
	_ =	strace $0x80000046;
	[dreg:$0x1] =	wrdreg $0xFFFFFFFF  }
0xad: {  	s28 =	simm.s32 $_size_execute0_lowered;
	s9 =	sadd.s32 s9, s11;
	[dreg:$0x0] =	wrdreg $0x0  }
0xae: {  	s11 =	sshll.u32 s28, $0x1;
	[dreg:$0x2] =	wrdreg s9  }
0xaf: {  	[dreg:$0x3] =	wrdreg s11  }
0xb0: {  	[dreg:$0x4] =	wrdreg $0xC0  }
0xb1: {  	_ =	task [dreg:s13], $0x5FFFF  }
0xb2: {  	[dreg:$0x1] =	wrdreg $0xFFFFFFFF  }
0xb3: {  	[dreg:$0x0] =	wrdreg $0x60  }
0xb4: {  	[dreg:$0x2] =	wrdreg s2  }
0xb5: {  	[dreg:$0x3] =	wrdreg s18  }
0xb6: {  	[dreg:$0x4] =	wrdreg s4  }
0xb7: {  	[dreg:$0x5] =	wrdreg s5  }
0xb8: {  	[dreg:$0x6] =	wrdreg s6  }
0xb9: {  	[dreg:$0x7] =	wrdreg s7  }
0xba: {  	[dreg:$0x8] =	wrdreg s8  }
0xbb: {  	[dreg:$0x9] =	wrdreg s24  }
0xbc: {  	[dreg:$0xa] =	wrdreg $0x113E00  }
0xbd: {  	[dreg:$0xb] =	wrdreg $0x133200  }
0xbe: {  	[dreg:$0xc] =	wrdreg $0x9  }
0xbf: {  	_ =	task.clear_ibuf [dreg:s13], $0xDFFFF;
	_ =	strace $0x90000046  }
0xc0: {  	s29 =	simm.s32 $0x9;
	_ =	strace $0x80000048  }
0xc1: {  	_ =	swait.ge [sflag:s29], $0x1  }
0xc2: {  	[sflag:s29] =	ssyncadd.s32 $0xFFFFFFFF  }
0xc3: {  	_ =	strace $0x90000048  }
0xc4: {  	_ =	sfence  }
0xc5: {  	s30 =	sld [smem:$0x0];
	_ =	sdelay $0x2  }
0xc6: {  	s31 =	sshll.u32 s1, $0xD;
	s1 =	sshrl.u32 s1, $0x2  }
0xc7: {  	s3 =	sand.u32 $0x4000, s31;
	s1 =	sadd.s32 s1, s30  }
0xc8: {  	s0 =	sor.u32 s3, s0;
	s1 =	sshll.u32 s1, $0x11  }
0xc9: {  	s0 =	sor.u32 s1, s0  }
0xca: {  	s0 =	sadd.s32 $0x8F2B, s0  }
0xcb: {  	[sflag:s0] =	ssyncadd.remote.s32 $0x1  }
0xcc: {  	_ =	sfence.sel $0xFFFF  }
0xcd: {  	[dreg:$0x0] =	wrdreg $0xFFFFFFFF;
	(pc) =	sbr.abs _section_cstart, $3  }
0xce: {  	[dreg:$0x1] =	wrdreg $0xFFFFFFFF  }
0xcf: {  	_ =	task.clear_ibuf [dreg:s13], $0x2FFFF;
	_ =	strace $0x9FFFFFFF  }
0xd0: {  	(tm) =	ssettm $0x7FFFFFFF  }
0xd1: {  	_ =	shalt  }
tec
execute0_lowered:
.L_overlay_start_1:
0x0: {  	(tag) =	ssettag $0x1  }
0x1: {  	s0 =	rddreg [dreg:$0x0]  }
0x2: {  	s1 =	rddreg [dreg:$0x1]  }
0x3: {  	s2 =	rddreg [dreg:$0x2]  }
0x4: {  	s3 =	rddreg [dreg:$0x3]  }
0x5: {  	s5 =	rddreg [dreg:$0x7]  }
0x6: {  	s4 =	rddreg [dreg:$0x8]  }
0x7: {  	s6 =	rddreg [dreg:$0x9]  }
0x8: {  	s8 =	srdreg.scid;
	s7 =	simm.s32 $0x0;
	s13 =	stileid.u32  }
0x9: {  	s14 =	simm.s32 $0x600;
	s15 =	simm.s32 $0x9E8;
	s17 =	simm.s32 $0x8  }
0xa: {  	s18 =	simm.s32 $0x200;
	s21 =	simm.s32 $0x80;
	s28 =	simm.s32 $0x1  }
0xb: {  	s29 =	simm.s32 $0x2;
	s30 =	simm.s32 $0x3;
	s31 =	simm.s32 $0x4  }
0xc: {  	s19 =	simm.s32 $0x5;
	s20 =	simm.s32 $0x7;
	s8 =	sand.u32 $0x1, s8  }
0xd: {  	[smem:$0x7FF] =	sst s7;
	s10 =	smul.u32 $0x3E80, s13;
	s12 =	sshll.u32 s13, $0x1  }
0xe: {  	p0 =	slt.u32 s13, $0x8;
	s26 =	sshll.u32 s13, $0x6;
	s9 =	ssub.s32 $0x2, s8  }
0xf: {  	_ =	strace $0x80000047;
	s22 =	sor.u32 s8, s12;
	s13 =	sor.u32 $0x1C08, s26  }
0x10: {  	s26 =	simm.s32 $0x53D0;
	s11 =	sshrl.u32 s9, $0x1;
	s23 =	sadd.s32 $0xFFFE0C00, s10  }
0x11: {  	s24 =	sshll.u32 s22, $0x6;
	s9 =	ssub.s32 s9, s11;
	s16 =	sadd.s32 s23, s6  }
0x12: {  	s8 =	sshrl.u32 s23, $0x3;
	s11 =	sshll.u32 s22, $0x1;
	s0 =	sadd.s32 s0, s24  }
0x13: {  	s25 =	sadd.s32 s1, s24;
	s23 =	simm.s32 $0x13D0;
	s24 =	simm.s32 $0x93D0  }
0x14: {  	s1 =	simm.s32 $0x11D0;
	s8 =	sadd.s32 s3, s8;
	[dreg:$0xb] =	wrdreg s0  }
0x15: {  	s3 =	sadd.s32 s10, s4;
	s10 =	sshrl.u32 s10, $0x3;
	[dreg:$0xc] =	wrdreg s25  }
0x16: {  	s11 =	sadd.s32 s5, s11;
	s12 =	smax.u32 s9, $0x1;
	s0 =	simm.s32 $0x6  }
0x17: {  	s5 =	simm.s32 $0xFD0;
	s2 =	sadd.s32 s2, s10;
	s16 =	smov.u32 @p0 s3  }
0x18: {  	v0 =	vimm.s32 $0x0;
	s25 =	simm.s32 $0x0;
	s8 =	smov.u32 @p0 s2;
	s16 =	sshrl.u32 s16, $0x3  }
.LBB2_1:
0x19: {  	s2 =	rddreg [dreg:$0x4]  }
0x1a: {  	[tilespmem:s14], [sflag:$0x1] =	stream.linear.gather [hbm4b:s2+s7], $0x3E8, $0x38;
	[tilespmem:$0x15260] =	vst v63  }
0x1b: {  	s9 =	rddreg [dreg:$0x5]  }
0x1c: {  	[tilespmem:s15], [sflag:$0x2] =	stream.linear.gather [hbm4b:s9+s7], $0x3E8, $0x38;
	[tilespmem:$0x15260] =	vst v63  }
0x1d: {  	[spmem:s16], [sflag:s13] =	dma.local [hbm:s8], $0x7D0  }
0x1e: {  	_ =	swait.ge [sflag:s17], $0x7D0  }
0x1f: {  	[sflag:s17] =	ssyncset.done $0x0  }
0x20: {  	s10 =	rddreg [dreg:$0xb];
	[sflag:s17] =	ssyncadd.s32 $0xFFFFF830  }
0x21: {  	[tilespmem:s7], [sflag:$0x8] =	stream.linear.gather [hbm4b:s10+s7], $0x200, $0x38;
	[tilespmem:$0x15260] =	vst v63  }
0x22: {  	_ =	swait.ge [sflag:s17], $0x200  }
0x23: {  	[sflag:s17] =	ssyncset.done $0x0  }
0x24: {  	s22 =	rddreg [dreg:$0xc];
	[sflag:s17] =	ssyncadd.s32 $0xFFFFFE00  }
0x25: {  	[tilespmem:s18], [sflag:$0x8] =	stream.linear.gather [hbm4b:s22+s7], $0x200, $0x38;
	[tilespmem:$0x15260] =	vst v63  }
0x26: {  	_ =	swait.ge [sflag:s17], $0x200  }
0x27: {  	[sflag:s17] =	ssyncset.done $0x0  }
0x28: {  	s2 =	simm.s32 $0x0;
	[sflag:s17] =	ssyncadd.s32 $0xFFFFFE00  }
0x29: {  	v1 =	vld [tilespmem:s2+$0x0]  }
0x2a: {  	s3 =	simm.s32 $0x40;
	v2 =	vld [tilespmem:s2+$0x200]  }
.LBB2_2:
0x2b: {  	_ = 	snop  }
0x2c: {  	p0 =	sne.s32 s3, $0x7C0  }
.Ltmp0:
0x2d: {  	_ = 	snop;
	(pc) =	sbr.rel @p0 .LBB2_2-.Ltmp0, $4  }
0x2e: {  	v3 =	vmul.u32 $0x3E8, v1  }
0x2f: {  	s9 =	sshra.s32 s3, $0x2  }
0x30: {  	v1 =	vld [tilespmem:s9+$0x0];
	v3 =	vadd.s32 v2, v3  }
0x31: {  	s3 =	sadd.s32 $0x40, s3;
	v2 =	vld [tilespmem:s9+$0x200];
	[tilespmem:s2+$0x400] =	vst v3;
	s2 =	smov.u32 s9  }
0x32: {  	_ =	sdelay $0x2  }
0x33: {  	v1 =	vmul.u32 $0x3E8, v1;
	_ =	sdelay $0x1  }
0x34: {  	v1 =	vadd.s32 v2, v1  }
0x35: {  	s10 =	rddreg [dreg:$0x6];
	s3 =	simm.s32 $0x400;
	s9 =	simm.s32 $0xDD0;
	[tilespmem:s2+$0x400] =	vst v1  }
0x36: {  	[tilespmem:s9], [sflag:$0x3] =	stream.indirect.gather [hbm4b:s10+s18], $0x1, s3, s18, $0xb8;
	[tilespmem:$0x15260] =	vst v63  }
0x37: {  	s22 =	simm.s32 $0x0;
	[bflag:$0x0] =	sbarrier.arrive $0xFFFF  }
0x38: {  	[tilespmem:s23], [sflag:$0x4] =	stream.indirect.gather [spmem:s4], $0x80, s22, s21, $0xb8;
	[tilespmem:$0x15260] =	vst v63  }
0x39: {  	_ = 	snop  }
0x3a: {  	[tilespmem:s24], [sflag:$0x6] =	stream.indirect.gather [spmem:s6], $0x80, s18, s21, $0xb8;
	[tilespmem:$0x15260] =	vst v63  }
0x3b: {  	_ = 	snop  }
0x3c: {  	[tilespmem:s26], [sflag:$0x5] =	stream.indirect.gather [spmem:s4], $0x80, s21, s21, $0xb8;
	[tilespmem:$0x15260] =	vst v63  }
0x3d: {  	s24 =	simm.s32 $0x280;
	s26 =	simm.s32 $0xD3D0  }
0x3e: {  	[tilespmem:s26], [sflag:$0x7] =	stream.indirect.gather [spmem:s6], $0x80, s24, s21, $0xb8;
	[tilespmem:$0x15260] =	vst v63  }
0x3f: {  	_ =	swait.ge [sflag:s28], $0x3E8  }
0x40: {  	[sflag:s28] =	ssyncset.done $0x0  }
0x41: {  	[sflag:s28] =	ssyncadd.s32 $0xFFFFFC18  }
0x42: {  	_ =	swait.ge [sflag:s29], $0x3E8  }
0x43: {  	[sflag:s29] =	ssyncset.done $0x0  }
0x44: {  	[sflag:s29] =	ssyncadd.s32 $0xFFFFFC18  }
0x45: {  	_ =	swait.ge [sflag:s30], $0x200  }
0x46: {  	[sflag:s30] =	ssyncset.done $0x0  }
0x47: {  	s26 =	simm.s32 $0x0;
	[sflag:s30] =	ssyncadd.s32 $0xFFFFFE00  }
0x48: {  	v1 =	vld [tilespmem:s26+$0xDD0];
	_ =	sdelay $0x4  }
0x49: {  	v2 =	vand.u32 $0x7FFFFF, v1  }
0x4a: {  	v2 =	vor.u32 $0x3F800000, v2  }
0x4b: {  	v3 =	vmul.f32 $5.000000000e-01, v2  }
0x4c: {  	vm0 =	vgt.f32 v2, $1.333333370e+00  }
0x4d: {  	s23 =	simm.s32 $0x10;
	v2 =	vsel vm0, v3, v2  }
0x4e: {  	v5 =	vld [tilespmem:s23+$0xDD0];
	v3 =	vadd.f32 $1.000000000e+00, v2;
	_ =	sdelay $0x1  }
0x4f: {  	(erf) = vrcp.f32 v3;
	_ =	sdelay $0x2  }
0x50: {  	v3 =	vand.u32 $0x7FFFFF, v5  }
0x51: {  	v3 =	vor.u32 $0x3F800000, v3  }
0x52: {  	v4 =	vmul.f32 $5.000000000e-01, v3;
	_ =	sdelay $0x1  }
0x53: {  	vm1 =	vgt.f32 v3, $1.333333370e+00  }
0x54: {  	v2 =	vadd.f32 $-1.000000000e+00, v2;
	v3 =	vsel vm1, v4, v3  }
0x55: {  	v6 =	vadd.f32 $1.000000000e+00, v3;
	v4 =	vpop (erf)  }
0x56: {  	s3 =	simm.s32 $0x20;
	v2 =	vmul.f32 v4, v2  }
0x57: {  	v7 =	vld [tilespmem:s3+$0xDD0];
	(erf) = vrcp.f32 v6  }
0x58: {  	v6 =	vmul.f32 v2, v2;
	_ =	sdelay $0x1  }
0x59: {  	v4 =	vmul.f32 $1.428571490e-01, v6  }
0x5a: {  	vm0 =	vmmov vm0  }
0x5b: {  	v8 =	vand.u32 $0x7FFFFF, v7;
	vm2 =	vmmov vm0;
	v4 =	vadd.f32 $2.000000030e-01, v4  }
0x5c: {  	v8 =	vor.u32 $0x3F800000, v8;
	v10 =	vsel vm2, $0x1, v0  }
0x5d: {  	v1 =	vshrl.u32 v1, $0x17;
	v9 =	vmul.f32 $5.000000000e-01, v8;
	v4 =	vmul.f32 v4, v6  }
0x5e: {  	v1 =	vand.u32 $0xFF, v1;
	vm0 =	vgt.f32 v8, $1.333333370e+00;
	v3 =	vadd.f32 $-1.000000000e+00, v3  }
0x5f: {  	s2 =	simm.s32 $0x30;
	v8 =	vsel vm0, v9, v8;
	v1 =	vadd.s32 v10, v1;
	v10 =	vpop (erf);
	v9 =	vadd.f32 $3.333333430e-01, v4  }
0x60: {  	v11 =	vadd.f32 $1.000000000e+00, v8;
	v3 =	vmul.f32 v10, v3;
	v4 =	vld [tilespmem:s2+$0xDD0]  }
0x61: {  	v6 =	vmul.f32 v9, v6  }
0x62: {  	v1 =	vadd.s32 $0xFFFFFF81, v1;
	(erf) = vrcp.f32 v11;
	v9 =	vmul.f32 v3, v3  }
0x63: {  	v1 =	vcvt.s32.f32 v1;
	v2 =	vadd.f32 v2, v2;
	v6 =	vadd.f32 $1.000000000e+00, v6  }
0x64: {  	v10 =	vmul.f32 $1.428571490e-01, v9  }
0x65: {  	v1 =	vmul.f32 $6.931471820e-01, v1;
	v2 =	vmul.f32 v6, v2;
	v6 =	vand.u32 $0x7FFFFF, v4  }
0x66: {  	v10 =	vadd.f32 $2.000000030e-01, v10;
	v6 =	vor.u32 $0x3F800000, v6  }
0x67: {  	v2 =	vadd.f32 v2, v1;
	v1 =	vshrl.u32 v5, $0x17;
	v5 =	vmul.f32 $5.000000000e-01, v6  }
0x68: {  	v8 =	vadd.f32 $-1.000000000e+00, v8;
	vm1 =	vmmov vm1  }
0x69: {  	vm2 =	vmmov vm1;
	v10 =	vmul.f32 v10, v9;
	v11 =	vmul.f32 $7.500000000e-01, v2  }
0x6a: {  	v12 =	vsel vm2, $0x1, v0;
	vm1 =	vgt.f32 v6, $1.333333370e+00;
	v1 =	vand.u32 $0xFF, v1  }
0x6b: {  	v6 =	vsel vm1, v5, v6;
	v10 =	vadd.f32 $3.333333430e-01, v10;
	v5 =	vpop (erf);
	v11 =	vadd.f32 $-3.453877690e+00, v11  }
0x6c: {  	s22 =	simm.s32 $0x40;
	v12 =	vadd.s32 v12, v1;
	v13 =	vadd.f32 $1.000000000e+00, v6;
	v15 =	vmul.f32 v5, v8  }
0x6d: {  	v1 =	vld [tilespmem:s22+$0xDD0];
	v5 =	vadd.s32 $0xFFFFFF81, v12;
	v8 =	vmul.f32 v10, v9;
	v9 =	vmul.f32 $1.442695020e+00, v11  }
0x6e: {  	v3 =	vadd.f32 v3, v3;
	(erf) = vrcp.f32 v13;
	v5 =	vcvt.s32.f32 v5  }
0x6f: {  	v10 =	vmul.f32 v15, v15;
	v8 =	vadd.f32 $1.000000000e+00, v8;
	(erf) = vpow2.f32 v9  }
0x70: {  	v5 =	vmul.f32 $6.931471820e-01, v5  }
0x71: {  	vm0 =	vmmov vm0;
	v9 =	vld [tilespmem:s26+$0x0];
	v11 =	vmul.f32 $1.428571490e-01, v10;
	v3 =	vmul.f32 v8, v3  }
0x72: {  	v7 =	vshrl.u32 v7, $0x17;
	vm0 =	vmmov vm0;
	v12 =	vld [tilespmem:s26+$0x200];
	v8 =	vand.u32 $0x7FFFFF, v1  }
0x73: {  	v8 =	vor.u32 $0x3F800000, v8;
	v11 =	vadd.f32 $2.000000030e-01, v11;
	v5 =	vadd.f32 v3, v5  }
0x74: {  	vm1 =	vmmov vm1;
	v3 =	vand.u32 $0xFF, v7;
	v7 =	vmul.f32 $5.000000000e-01, v8  }
0x75: {  	v13 =	vsel vm0, $0x1, v0;
	v11 =	vmul.f32 v11, v10;
	v14 =	vmul.f32 $7.500000000e-01, v5  }
0x76: {  	v6 =	vadd.f32 $-1.000000000e+00, v6;
	vm0 =	vgt.f32 v8, $1.333333370e+00;
	v13 =	vadd.s32 v13, v3  }
0x77: {  	s24 =	simm.s32 $0x50;
	v7 =	vsel vm0, v7, v8;
	v8 =	vpop (erf);
	v11 =	vadd.f32 $3.333333430e-01, v11;
	v14 =	vadd.f32 $-3.453877690e+00, v14  }
0x78: {  	v3 =	vld [tilespmem:s24+$0xDD0];
	v13 =	vadd.s32 $0xFFFFFF81, v13;
	v16 =	vadd.f32 $1.000000000e+00, v7;
	v6 =	vmul.f32 v8, v6;
	v17 =	vpop (erf)  }
0x79: {  	v8 =	vld.idx.msk [tilespmem:v9+s14+$0x0], $0xffff;
	v10 =	vmul.f32 v11, v10;
	v11 =	vmul.f32 $1.442695020e+00, v14;
	v17 =	vmin.f32 v17, $1.000000000e+00  }
0x7a: {  	s9 =	simm.s32 $0x180;
	v9 =	vld.idx.msk [tilespmem:v12+s15+$0x0], $0xffff;
	(erf) = vrcp.f32 v16;
	v14 =	vcvt.s32.f32 v13;
	v13 =	vadd.f32 v15, v15;
	v12 =	vmovc v6;
	[tilespmem:s26+$0x11D0] =	vst v17  }
.LBB2_4:
0x7b: {  	p0 =	sne.s32 s9, $0x7C0;
	v15 =	vmul.f32 v12, v6;
	v10 =	vadd.f32 $1.000000000e+00, v10;
	(erf) = vpow2.f32 v11  }
0x7c: {  	vm2 =	vmmov vm1;
	vm1 =	vmmov vm0;
	v11 =	vmul.f32 $6.931471820e-01, v14  }
0x7d: {  	v12 =	vshrl.u32 v4, $0x17;
	v4 =	vmovc v1;
	v14 =	vmul.f32 $1.428571490e-01, v15;
	v10 =	vmul.f32 v10, v13;
	v13 =	vld [tilespmem:s23+$0x0];
	v1 =	vmovc v3  }
0x7e: {  	v12 =	vand.u32 $0xFF, v12;
	v3 =	vand.u32 $0x7FFFFF, v1;
	v16 =	vld [tilespmem:s23+$0x200]  }
0x7f: {  	v3 =	vor.u32 $0x3F800000, v3;
	v14 =	vadd.f32 $2.000000030e-01, v14;
	v10 =	vadd.f32 v10, v11  }
0x80: {  	v8 =	vadd.f32 v9, v8;
	vm0 =	vgt.f32 v3, $1.333333370e+00;
	v11 =	vmul.f32 $5.000000000e-01, v3  }
0x81: {  	v9 =	vsel vm2, $0x1, v0;
	v14 =	vmul.f32 v14, v15;
	v17 =	vmul.f32 $7.500000000e-01, v10  }
.Ltmp1:
0x82: {  	v19 =	vadd.f32 $-1.000000000e+00, v7;
	v9 =	vadd.s32 v9, v12;
	v8 =	vsub.f32 v8, v2;
	v2 =	vmovc v5;
	v5 =	vmovc v10;
	(pc) =	sbr.rel @p0 .LBB2_4-.Ltmp1, $4  }
0x83: {  	s10 =	sshra.s32 s9, $0x2;
	v7 =	vsel vm0, v11, v3;
	v10 =	vpop (erf);
	v11 =	vadd.f32 $3.333333430e-01, v14;
	v14 =	vadd.f32 $-3.453877690e+00, v17  }
0x84: {  	v9 =	vadd.s32 $0xFFFFFF81, v9;
	v17 =	vadd.f32 $1.000000000e+00, v7;
	v3 =	vld [tilespmem:s10+$0xDD0];
	v12 =	vmul.f32 v10, v19;
	v18 =	vpop (erf);
	[tilespmem:s26+$0xFD0] =	vst v8;
	s26 =	smov.u32 s23;
	s23 =	smov.u32 s3;
	s3 =	smov.u32 s2  }
0x85: {  	s2 =	smov.u32 s22;
	s22 =	smov.u32 s24;
	s24 =	smov.u32 s10;
	v10 =	vmul.f32 v11, v15;
	v11 =	vmul.f32 $1.442695020e+00, v14;
	v15 =	vmin.f32 v18, $1.000000000e+00;
	v8 =	vld.idx.msk [tilespmem:v13+s14+$0x0], $0xffff  }
0x86: {  	s9 =	sadd.s32 $0x40, s9;
	v14 =	vcvt.s32.f32 v9;
	v13 =	vadd.f32 v6, v6;
	(erf) = vrcp.f32 v17;
	v9 =	vld.idx.msk [tilespmem:v16+s15+$0x0], $0xffff;
	[tilespmem:s26+$0x11D0] =	vst v15;
	v6 =	vmovc v12  }
0x87: {  	v12 =	vmul.f32 v12, v6  }
0x88: {  	v10 =	vadd.f32 $1.000000000e+00, v10;
	(erf) = vpow2.f32 v11  }
0x89: {  	vm2 =	vmmov vm1;
	v4 =	vshrl.u32 v4, $0x17;
	v11 =	vmul.f32 $1.428571490e-01, v12  }
0x8a: {  	v16 =	vld [tilespmem:s23+$0x200];
	v14 =	vmul.f32 $6.931471820e-01, v14;
	v10 =	vmul.f32 v10, v13;
	v15 =	vand.u32 $0x7FFFFF, v3  }
0x8b: {  	v7 =	vadd.f32 $-1.000000000e+00, v7;
	v13 =	vld [tilespmem:s23+$0x0];
	v15 =	vor.u32 $0x3F800000, v15;
	v11 =	vadd.f32 $2.000000030e-01, v11  }
0x8c: {  	v10 =	vadd.f32 v10, v14;
	v14 =	vmul.f32 $5.000000000e-01, v15;
	v8 =	vadd.f32 v9, v8  }
0x8d: {  	v4 =	vand.u32 $0xFF, v4;
	vm14 =	vgt.f32 v15, $1.333333370e+00;
	v9 =	vmul.f32 v11, v12  }
0x8e: {  	v11 =	vmul.f32 $7.500000000e-01, v10;
	v2 =	vsub.f32 v8, v2;
	v8 =	vsel vm14, v14, v15  }
0x8f: {  	v14 =	vsel vm2, $0x1, v0;
	v17 =	vadd.f32 $1.000000000e+00, v8;
	v9 =	vadd.f32 $3.333333430e-01, v9;
	v15 =	vpop (erf)  }
0x90: {  	v4 =	vadd.s32 v14, v4;
	v11 =	vadd.f32 $-3.453877690e+00, v11;
	v7 =	vmul.f32 v15, v7  }
0x91: {  	v4 =	vadd.s32 $0xFFFFFF81, v4;
	[tilespmem:s26+$0xFD0] =	vst v2;
	(erf) = vrcp.f32 v17;
	v9 =	vmul.f32 v9, v12  }
0x92: {  	v6 =	vadd.f32 v6, v6;
	v4 =	vcvt.s32.f32 v4;
	v14 =	vld.idx.msk [tilespmem:v16+s15+$0x0], $0xffff;
	v12 =	vpop (erf);
	v2 =	vmul.f32 $1.442695020e+00, v11  }
0x93: {  	v11 =	vmin.f32 v12, $1.000000000e+00;
	v12 =	vld.idx.msk [tilespmem:v13+s14+$0x0], $0xffff;
	v13 =	vmul.f32 v7, v7;
	v9 =	vadd.f32 $1.000000000e+00, v9  }
0x94: {  	v4 =	vmul.f32 $6.931471820e-01, v4;
	(erf) = vpow2.f32 v2;
	[tilespmem:s23+$0x11D0] =	vst v11  }
0x95: {  	v2 =	vmul.f32 $1.428571490e-01, v13;
	v11 =	vld [tilespmem:s3+$0x200];
	v6 =	vmul.f32 v9, v6  }
0x96: {  	v9 =	vld [tilespmem:s3+$0x0]  }
0x97: {  	v2 =	vadd.f32 $2.000000030e-01, v2;
	v4 =	vadd.f32 v6, v4  }
0x98: {  	vm0 =	vmmov vm0;
	v6 =	vadd.f32 v14, v12  }
0x99: {  	vm0 =	vmmov vm0;
	v2 =	vmul.f32 v2, v13;
	v12 =	vmul.f32 $7.500000000e-01, v4  }
0x9a: {  	v1 =	vshrl.u32 v1, $0x17;
	v5 =	vsub.f32 v6, v5;
	v6 =	vsel vm0, $0x1, v0  }
0x9b: {  	v1 =	vand.u32 $0xFF, v1;
	v2 =	vadd.f32 $3.333333430e-01, v2;
	v12 =	vadd.f32 $-3.453877690e+00, v12  }
0x9c: {  	v14 =	vpop (erf);
	v1 =	vadd.s32 v6, v1;
	[tilespmem:s23+$0xFD0] =	vst v5  }
0x9d: {  	v1 =	vadd.s32 $0xFFFFFF81, v1;
	v6 =	vpop (erf);
	v2 =	vmul.f32 v2, v13;
	v11 =	vld.idx.msk [tilespmem:v11+s15+$0x0], $0xffff;
	v5 =	vmul.f32 $1.442695020e+00, v12  }
0x9e: {  	v7 =	vadd.f32 v7, v7;
	v1 =	vcvt.s32.f32 v1;
	v6 =	vmin.f32 v6, $1.000000000e+00;
	v9 =	vld.idx.msk [tilespmem:v9+s14+$0x0], $0xffff  }
0x9f: {  	v2 =	vadd.f32 $1.000000000e+00, v2;
	[tilespmem:s3+$0x11D0] =	vst v6;
	(erf) = vpow2.f32 v5;
	v5 =	vadd.f32 $-1.000000000e+00, v8  }
0xa0: {  	v1 =	vmul.f32 $6.931471820e-01, v1;
	v6 =	vld [tilespmem:s2+$0x0]  }
0xa1: {  	v2 =	vmul.f32 v2, v7;
	v7 =	vld [tilespmem:s2+$0x200];
	v5 =	vmul.f32 v14, v5;
	_ =	sdelay $0x1  }
0xa2: {  	v1 =	vadd.f32 v2, v1;
	v2 =	vadd.f32 v11, v9;
	v8 =	vmul.f32 v5, v5;
	_ =	sdelay $0x1  }
0xa3: {  	v9 =	vmul.f32 $7.500000000e-01, v1;
	v2 =	vsub.f32 v2, v10;
	v10 =	vmul.f32 $1.428571490e-01, v8;
	_ =	sdelay $0x1  }
0xa4: {  	v9 =	vadd.f32 $-3.453877690e+00, v9;
	[tilespmem:s3+$0xFD0] =	vst v2  }
0xa5: {  	v6 =	vld.idx.msk [tilespmem:v6+s14+$0x0], $0xffff  }
0xa6: {  	v2 =	vadd.f32 $2.000000030e-01, v10;
	v9 =	vmul.f32 $1.442695020e+00, v9;
	v7 =	vld.idx.msk [tilespmem:v7+s15+$0x0], $0xffff;
	v10 =	vpop (erf)  }
0xa7: {  	v10 =	vmin.f32 v10, $1.000000000e+00  }
0xa8: {  	v2 =	vmul.f32 v2, v8;
	(erf) = vpow2.f32 v9;
	[tilespmem:s2+$0x11D0] =	vst v10  }
0xa9: {  	vm15 =	vmmov vm14;
	v9 =	vld [tilespmem:s22+$0x0]  }
0xaa: {  	v3 =	vshrl.u32 v3, $0x17;
	vm0 =	vmmov vm15;
	v2 =	vadd.f32 $3.333333430e-01, v2;
	v10 =	vld [tilespmem:s22+$0x200]  }
0xab: {  	v3 =	vand.u32 $0xFF, v3;
	v11 =	vsel vm0, $0x1, v0;
	v6 =	vadd.f32 v7, v6  }
0xac: {  	v3 =	vadd.s32 v11, v3;
	v2 =	vmul.f32 v2, v8  }
0xad: {  	v3 =	vadd.s32 $0xFFFFFF81, v3;
	v4 =	vsub.f32 v6, v4  }
0xae: {  	v5 =	vadd.f32 v5, v5;
	v3 =	vcvt.s32.f32 v3;
	v2 =	vadd.f32 $1.000000000e+00, v2;
	_ =	sdelay $0x1  }
0xaf: {  	v3 =	vmul.f32 $6.931471820e-01, v3;
	v2 =	vmul.f32 v2, v5;
	[tilespmem:s2+$0xFD0] =	vst v4  }
0xb0: {  	v4 =	vpop (erf);
	v5 =	vld.idx.msk [tilespmem:v9+s14+$0x0], $0xffff  }
0xb1: {  	v2 =	vadd.f32 v2, v3;
	v3 =	vmin.f32 v4, $1.000000000e+00;
	v4 =	vld.idx.msk [tilespmem:v10+s15+$0x0], $0xffff  }
0xb2: {  	[tilespmem:s22+$0x11D0] =	vst v3  }
0xb3: {  	v3 =	vmul.f32 $7.500000000e-01, v2;
	v6 =	vld [tilespmem:s24+$0x0]  }
0xb4: {  	v7 =	vld [tilespmem:s24+$0x200]  }
0xb5: {  	v3 =	vadd.f32 $-3.453877690e+00, v3  }
0xb6: {  	v4 =	vadd.f32 v4, v5  }
0xb7: {  	v3 =	vmul.f32 $1.442695020e+00, v3  }
0xb8: {  	v1 =	vsub.f32 v4, v1  }
0xb9: {  	(erf) = vpow2.f32 v3  }
0xba: {  	[tilespmem:s22+$0xFD0] =	vst v1  }
0xbb: {  	v1 =	vld.idx.msk [tilespmem:v6+s14+$0x0], $0xffff  }
0xbc: {  	v3 =	vld.idx.msk [tilespmem:v7+s15+$0x0], $0xffff;
	_ =	sdelay $0x4  }
0xbd: {  	v1 =	vadd.f32 v3, v1  }
0xbe: {  	v3 =	vpop (erf)  }
0xbf: {  	v3 =	vmin.f32 v3, $1.000000000e+00;
	v1 =	vsub.f32 v1, v2  }
0xc0: {  	[tilespmem:s24+$0x11D0] =	vst v3  }
0xc1: {  	[tilespmem:s24+$0xFD0] =	vst v1  }
0xc2: {  	_ =	swait.ge [sflag:s31], $0x4000  }
0xc3: {  	[sflag:s31] =	ssyncset.done $0x0  }
0xc4: {  	[sflag:s31] =	ssyncadd.s32 $0xFFFFC000  }
0xc5: {  	_ =	swait.ge [sflag:s0], $0x4000  }
0xc6: {  	[sflag:s0] =	ssyncset.done $0x0  }
0xc7: {  	s24 =	simm.s32 $0x1450;
	[sflag:s0] =	ssyncadd.s32 $0xFFFFC000  }
0xc8: {  	s2 =	simm.s32 $0x9450;
	v8 =	vld [tilespmem:s24+$0xFFFFFFE0]  }
0xc9: {  	v1 =	vld [tilespmem:s2+$0x70]  }
0xca: {  	v3 =	vld [tilespmem:s24+$0x70]  }
0xcb: {  	v4 =	vld [tilespmem:s2+$0x50]  }
0xcc: {  	v5 =	vld [tilespmem:s24+$0x50]  }
0xcd: {  	v6 =	vld [tilespmem:s2+$0x40]  }
0xce: {  	s9 =	simm.s32 $0x0;
	v7 =	vld [tilespmem:s24+$0x40]  }
0xcf: {  	v2 =	vmov s9;
	v9 =	vld [tilespmem:s2+$0x60]  }
0xd0: {  	v2 =	vand.u32 $0xFFFFFFFE, v2;
	v10 =	vld [tilespmem:s2+$0x30]  }
0xd1: {  	v11 =	vbroadcast v2, $0x0;
	v13 =	vld [tilespmem:s24+$0x30]  }
0xd2: {  	v14 =	vld [tilespmem:s24+$0xFFFFFFD0]  }
0xd3: {  	v12 =	vld [tilespmem:s24+$0x60]  }
0xd4: {  	v15 =	vld [tilespmem:s2+$0xFFFFFFB0]  }
0xd5: {  	v17 =	vld [tilespmem:s24+$0xFFFFFFB0]  }
0xd6: {  	v18 =	vld [tilespmem:s2+$0xFFFFFFD0]  }
0xd7: {  	v2 =	vld.idx.msk [tilespmem:v11+s1+$0x0], $0xffff  }
0xd8: {  	v19 =	vld [tilespmem:s24+$0xFFFFFF80]  }
0xd9: {  	v20 =	vld [tilespmem:s2+$0xFFFFFF80]  }
0xda: {  	v21 =	vld [tilespmem:s24+$0xFFFFFFC0]  }
0xdb: {  	v22 =	vld [tilespmem:s24+$0xFFFFFF90]  }
0xdc: {  	v24 =	vld [tilespmem:s2+$0xFFFFFFF0]  }
0xdd: {  	v23 =	vld [tilespmem:s2+$0xFFFFFFC0]  }
0xde: {  	s26 =	simm.s32 $0x1;
	v25 =	vld [tilespmem:s24+$0xFFFFFFA0]  }
0xdf: {  	v26 =	vmov s26;
	v27 =	vld [tilespmem:s24+$0xFFFFFFF0]  }
0xe0: {  	v28 =	vld [tilespmem:s2+$0xFFFFFFA0]  }
0xe1: {  	v29 =	vld [tilespmem:s2+$0xFFFFFF90]  }
0xe2: {  	v16 =	vld.idx.msk [tilespmem:v11+s5+$0x0], $0xffff;
	v7 =	vmul.f32 v6, v7  }
0xe3: {  	v30 =	vmul.f32 v9, v12;
	v12 =	vmul.f32 v4, v5;
	v9 =	vld [tilespmem:s2+$0xFFFFFFE0]  }
0xe4: {  	v6 =	vmul.f32 v10, v13;
	v11 =	vmul.f32 v1, v3;
	v5 =	vld.idx.msk [tilespmem:v26+s5+$0x0], $0xffff  }
0xe5: {  	v4 =	vmul.f32 v20, v19;
	v10 =	vmul.f32 v18, v14;
	v3 =	vld.idx.msk [tilespmem:v26+s1+$0x0], $0xffff  }
0xe6: {  	v13 =	vmul.f32 v28, v25;
	v17 =	vmul.f32 v15, v17;
	v14 =	vld [tilespmem:s2+$0x10]  }
0xe7: {  	v1 =	vimm.f32 $0.0e+00;
	v19 =	vmul.f32 v29, v22;
	v20 =	vmul.f32 v23, v21;
	v22 =	vld [tilespmem:s2+$0x20]  }
0xe8: {  	v23 =	vld [tilespmem:s2+$0x0];
	v25 =	vmul.f32 v24, v27;
	v15 =	vadd.f32 v4, v16;
	v4 =	vadd.f32 v17, v16  }
0xe9: {  	v26 =	vld [tilespmem:s24+$0x0];
	v18 =	vadd.f32 v13, v16;
	v8 =	vmul.f32 v9, v8;
	v9 =	vadd.f32 v20, v16  }
0xea: {  	v24 =	vld [tilespmem:s24+$0x10];
	v19 =	vadd.f32 v19, v16;
	v21 =	vmul.f32 v15, v2;
	v20 =	vadd.f32 v10, v16  }
0xeb: {  	s3 =	simm.s32 $0x1550;
	s9 =	simm.s32 $0x2;
	v27 =	vld [tilespmem:s24+$0x20];
	v17 =	vadd.f32 v30, v5;
	v8 =	vadd.f32 v8, v16;
	v13 =	vmul.f32 v9, v2  }
.LBB2_6:
0xec: {  	s22 =	smov.u32 s9  }
0xed: {  	v28 =	vmov s9;
	v10 =	vld [tilespmem:s3+$0xFFFFFFE0];
	s10 =	sadd.s32 $0x1, s9;
	v29 =	vadd.f32 v7, v5;
	v12 =	vadd.f32 v12, v5;
	s2 =	sadd.s32 $0x100, s2;
	s22 =	sadd.s32 $0x2, s9  }
0xee: {  	p0 =	slt.u32 s9, $0x7E;
	v31 =	vmul.f32 v18, v2;
	v7 =	vand.u32 $0xFFFFFFFE, v28;
	v28 =	vmov s10;
	v30 =	vld [tilespmem:s2+$0x70]  }
0xef: {  	v16 =	vadd.f32 v25, v16;
	v32 =	vbroadcast v7, $0x0;
	v7 =	vmul.f32 v19, v2;
	v33 =	vld [tilespmem:s3+$0x70]  }
0xf0: {  	v11 =	vadd.f32 v11, v5;
	v34 =	vmul.f32 v20, v2;
	v35 =	vmul.f32 v17, v3;
	v25 =	vld [tilespmem:s2+$0x50]  }
0xf1: {  	v37 =	vmul.f32 v16, v2;
	v22 =	vmul.f32 v22, v27;
	v36 =	vld [tilespmem:s3+$0x50]  }
0xf2: {  	v23 =	vmul.f32 v23, v26;
	v26 =	vmul.f32 v29, v3;
	v27 =	vld [tilespmem:s2+$0x40]  }
0xf3: {  	v14 =	vmul.f32 v14, v24;
	v16 =	vmul.f32 v37, v16;
	v22 =	vadd.f32 v22, v5;
	v38 =	vld [tilespmem:s3+$0x40]  }
0xf4: {  	v15 =	vmul.f32 v21, v15;
	v6 =	vadd.f32 v6, v5;
	v18 =	vmul.f32 v31, v18;
	v24 =	vld [tilespmem:s2+$0x60]  }
0xf5: {  	v31 =	vmul.f32 v8, v2;
	v19 =	vmul.f32 v7, v19;
	v23 =	vadd.f32 v23, v5;
	v21 =	vld [tilespmem:s2+$0x30]  }
0xf6: {  	v20 =	vmul.f32 v34, v20;
	v34 =	vmul.f32 v6, v3;
	v37 =	vld [tilespmem:s3+$0x30]  }
0xf7: {  	v40 =	vmul.f32 v4, v2;
	v17 =	vmul.f32 v35, v17;
	v39 =	vld [tilespmem:s3+$0xFFFFFFD0]  }
0xf8: {  	v5 =	vadd.f32 v14, v5;
	v2 =	vmul.f32 v22, v3;
	v7 =	vmul.f32 v27, v38;
	v27 =	vld [tilespmem:s3+$0x60]  }
0xf9: {  	v9 =	vmul.f32 v13, v9;
	v13 =	vmul.f32 v26, v29;
	v14 =	vld [tilespmem:s2+$0xFFFFFFB0]  }
0xfa: {  	v29 =	vmul.f32 v23, v3;
	v22 =	vmul.f32 v2, v22;
	v26 =	vld [tilespmem:s3+$0xFFFFFFB0]  }
0xfb: {  	v8 =	vmul.f32 v31, v8;
	v15 =	vadd.f32 v19, v15;
	v19 =	vmul.f32 v12, v3;
	v35 =	vld [tilespmem:s2+$0xFFFFFFD0]  }
0xfc: {  	v9 =	vadd.f32 v20, v9;
	v20 =	vmul.f32 v5, v3;
	v3 =	vmul.f32 v11, v3;
	v2 =	vld.idx.msk [tilespmem:v32+s1+$0x0], $0xffff  }
0xfd: {  	v6 =	vmul.f32 v34, v6;
	v8 =	vadd.f32 v16, v8;
	v16 =	vmul.f32 v19, v12;
	v31 =	vld [tilespmem:s3+$0xFFFFFF80]  }
0xfe: {  	v23 =	vmul.f32 v29, v23;
	v3 =	vmul.f32 v3, v11;
	v19 =	vld [tilespmem:s2+$0xFFFFFF80]  }
0xff: {  	v4 =	vmul.f32 v40, v4;
	v22 =	vadd.f32 v6, v22;
	v34 =	vmul.f32 v24, v27;
	v29 =	vld [tilespmem:s3+$0xFFFFFFC0]  }
0x100: {  	v12 =	vmul.f32 v25, v36;
	v5 =	vmul.f32 v20, v5;
	v3 =	vadd.f32 v3, v17;
	v24 =	vld [tilespmem:s3+$0xFFFFFF90]  }
0x101: {  	v4 =	vadd.f32 v4, v18;
	v8 =	vadd.f32 v8, v9;
	v6 =	vmul.f32 v21, v37;
	v17 =	vld [tilespmem:s2+$0xFFFFFFF0]  }
0x102: {  	v11 =	vmul.f32 v30, v33;
	v13 =	vadd.f32 v16, v13;
	v5 =	vadd.f32 v5, v23;
	v9 =	vld [tilespmem:s2+$0xFFFFFFC0]  }
0x103: {  	v4 =	vadd.f32 v4, v15;
	v18 =	vmul.f32 v19, v31;
	v19 =	vld [tilespmem:s3+$0xFFFFFFA0]  }
0x104: {  	v5 =	vadd.f32 v22, v5;
	v3 =	vadd.f32 v3, v13;
	v15 =	vld [tilespmem:s3+$0xFFFFFFF0]  }
0x105: {  	v4 =	vadd.f32 v8, v4;
	v13 =	vld [tilespmem:s2+$0xFFFFFFA0]  }
0x106: {  	v3 =	vadd.f32 v3, v5;
	v8 =	vld [tilespmem:s2+$0xFFFFFF90]  }
0x107: {  	v1 =	vadd.f32 v4, v1;
	v20 =	vmul.f32 v35, v39;
	v16 =	vld.idx.msk [tilespmem:v32+s5+$0x0], $0xffff  }
0x108: {  	v21 =	vld [tilespmem:s2+$0xFFFFFFE0]  }
0x109: {  	v1 =	vadd.f32 v3, v1;
	v25 =	vmul.f32 v17, v15;
	v5 =	vld.idx.msk [tilespmem:v28+s5+$0x0], $0xffff  }
0x10a: {  	v13 =	vmul.f32 v13, v19;
	v3 =	vld.idx.msk [tilespmem:v28+s1+$0x0], $0xffff  }
0x10b: {  	v4 =	vmul.f32 v14, v26;
	v8 =	vmul.f32 v8, v24;
	v14 =	vld [tilespmem:s2+$0x10]  }
.Ltmp2:
0x10c: {  	v9 =	vmul.f32 v9, v29;
	v22 =	vld [tilespmem:s2+$0x20];
	(pc) =	sbr.rel @p0 .LBB2_6-.Ltmp2, $4  }
0x10d: {  	v15 =	vadd.f32 v18, v16;
	v4 =	vadd.f32 v4, v16;
	v10 =	vmul.f32 v21, v10;
	v23 =	vld [tilespmem:s2+$0x0]  }
0x10e: {  	v18 =	vadd.f32 v13, v16;
	v9 =	vadd.f32 v9, v16;
	v26 =	vld [tilespmem:s3+$0x0]  }
0x10f: {  	v19 =	vadd.f32 v8, v16;
	v21 =	vmul.f32 v15, v2;
	v8 =	vadd.f32 v10, v16;
	v24 =	vld [tilespmem:s3+$0x10]  }
0x110: {  	s9 =	smov.u32 s22;
	v20 =	vadd.f32 v20, v16;
	v13 =	vmul.f32 v9, v2;
	v17 =	vadd.f32 v34, v5;
	v27 =	vld [tilespmem:s3+$0x20];
	s3 =	sadd.s32 $0x100, s3  }
0x111: {  	s23 =	simm.s32 $0x13D0;
	s2 =	simm.s32 $0x100  }
0x112: {  	[tilespmem:s23], [sflag:$0x4] =	stream.indirect.gather [spmem:s4], $0x80, s2, s21, $0xb8;
	[tilespmem:$0x15260] =	vst v63  }
0x113: {  	s24 =	simm.s32 $0x93D0;
	s22 =	simm.s32 $0x300  }
0x114: {  	[tilespmem:s24], [sflag:$0x6] =	stream.indirect.gather [spmem:s6], $0x80, s22, s21, $0xb8;
	[tilespmem:$0x15260] =	vst v63  }
0x115: {  	_ =	swait.ge [sflag:s19], $0x4000  }
0x116: {  	[sflag:s19] =	ssyncset.done $0x0  }
0x117: {  	[sflag:s19] =	ssyncadd.s32 $0xFFFFC000  }
0x118: {  	_ =	swait.ge [sflag:s20], $0x4000  }
0x119: {  	[sflag:s20] =	ssyncset.done $0x0  }
0x11a: {  	s2 =	simm.s32 $0x0;
	[sflag:s20] =	ssyncadd.s32 $0xFFFFC000  }
0x11b: {  	v28 =	vld [tilespmem:s2+$0x5450]  }
0x11c: {  	v29 =	vld [tilespmem:s2+$0xD430]  }
0x11d: {  	v30 =	vld [tilespmem:s2+$0xD490]  }
0x11e: {  	v10 =	vmul.f32 v18, v2;
	v16 =	vadd.f32 v25, v16;
	v31 =	vmul.f32 v19, v2;
	v25 =	vld [tilespmem:s2+$0xD470]  }
0x11f: {  	v15 =	vmul.f32 v21, v15;
	v32 =	vmul.f32 v20, v2;
	v33 =	vld [tilespmem:s2+$0xD3F0]  }
0x120: {  	v12 =	vadd.f32 v12, v5;
	v34 =	vmul.f32 v17, v3;
	v9 =	vmul.f32 v13, v9;
	v36 =	vld [tilespmem:s2+$0x5490]  }
0x121: {  	v6 =	vadd.f32 v6, v5;
	v35 =	vmul.f32 v16, v2;
	v23 =	vmul.f32 v23, v26;
	v26 =	vld [tilespmem:s2+$0x5430]  }
0x122: {  	v11 =	vadd.f32 v11, v5;
	v10 =	vmul.f32 v10, v18;
	v18 =	vmul.f32 v31, v19;
	v58 =	vld [tilespmem:s2+$0x53F0]  }
0x123: {  	v60 =	vmul.f32 v6, v3;
	v40 =	vmul.f32 v12, v3;
	v21 =	vld [tilespmem:s2+$0x5470]  }
0x124: {  	v7 =	vadd.f32 v7, v5;
	s3 =	simm.s32 $0x0;
	v41 =	vmul.f32 v11, v3;
	v14 =	vmul.f32 v14, v24;
	v19 =	vld [tilespmem:s2+$0xD410]  }
0x125: {  	v37 =	vmov s3;
	v24 =	vmul.f32 v8, v2;
	v20 =	vmul.f32 v32, v20;
	v59 =	vld [tilespmem:s2+$0xD480]  }
0x126: {  	v37 =	vadd.s32 $0x80, v37;
	v22 =	vmul.f32 v22, v27;
	v27 =	vmul.f32 v7, v3;
	v38 =	vld [tilespmem:s2+$0x5410]  }
0x127: {  	v2 =	vmul.f32 v4, v2;
	v17 =	vmul.f32 v34, v17;
	v13 =	vand.u32 $0xFFFFFFFE, v37;
	v39 =	vld [tilespmem:s2+$0xD4A0]  }
0x128: {  	v16 =	vmul.f32 v35, v16;
	v23 =	vadd.f32 v23, v5;
	v7 =	vmul.f32 v27, v7;
	v27 =	vld [tilespmem:s2+$0x54A0]  }
0x129: {  	s26 =	simm.s32 $0x1;
	v13 =	vbroadcast v13, $0x0;
	v15 =	vadd.f32 v18, v15;
	v6 =	vmul.f32 v60, v6;
	v62 =	vld [tilespmem:s2+$0xD4B0]  }
0x12a: {  	v12 =	vmul.f32 v40, v12;
	v8 =	vmul.f32 v24, v8;
	v24 =	vmov s26;
	v63 =	vld [tilespmem:s2+$0xD4C0]  }
0x12b: {  	v11 =	vmul.f32 v41, v11;
	v9 =	vadd.f32 v20, v9;
	v24 =	vadd.s32 $0x80, v24;
	v42 =	vld [tilespmem:s2+$0x5480]  }
0x12c: {  	v22 =	vadd.f32 v22, v5;
	v5 =	vadd.f32 v14, v5;
	v18 =	vbroadcast v24, $0x0;
	v24 =	vld [tilespmem:s2+$0xD450]  }
0x12d: {  	v14 =	vmul.f32 v23, v3;
	v8 =	vadd.f32 v16, v8;
	v16 =	vmul.f32 v2, v4;
	v20 =	vld [tilespmem:s2+$0x54C0]  }
0x12e: {  	v61 =	vmul.f32 v22, v3;
	v3 =	vmul.f32 v5, v3;
	v2 =	vld [tilespmem:s2+$0x5440]  }
0x12f: {  	v14 =	vmul.f32 v14, v23;
	v7 =	vadd.f32 v12, v7;
	v10 =	vadd.f32 v16, v10;
	v4 =	vld.idx.msk [tilespmem:v13+s5+$0x0], $0xffff  }
0x130: {  	v8 =	vadd.f32 v8, v9;
	v22 =	vmul.f32 v61, v22;
	v3 =	vmul.f32 v3, v5;
	v16 =	vld [tilespmem:s2+$0x5460]  }
0x131: {  	v5 =	vadd.f32 v11, v17;
	v12 =	vld [tilespmem:s2+$0xD460];
	v9 =	vadd.f32 v10, v15  }
0x132: {  	v17 =	vld [tilespmem:s2+$0xD400];
	v6 =	vadd.f32 v6, v22;
	v3 =	vadd.f32 v3, v14  }
0x133: {  	v23 =	vld [tilespmem:s2+$0x53D0];
	v5 =	vadd.f32 v5, v7  }
0x134: {  	v7 =	vadd.f32 v8, v9;
	v3 =	vadd.f32 v6, v3;
	v6 =	vld [tilespmem:s2+$0x54B0];
	v10 =	vmul.f32 v25, v21  }
0x135: {  	v11 =	vld.idx.msk [tilespmem:v18+s5+$0x0], $0xffff;
	v14 =	vmul.f32 v19, v38;
	v27 =	vmul.f32 v39, v27  }
0x136: {  	v9 =	vld [tilespmem:s2+$0x5400];
	v7 =	vadd.f32 v7, v1;
	v30 =	vmul.f32 v30, v36;
	v8 =	vmul.f32 v29, v26  }
0x137: {  	v1 =	vmul.f32 v59, v42;
	v12 =	vmul.f32 v12, v16;
	v26 =	vld [tilespmem:s2+$0xD3D0];
	v3 =	vadd.f32 v5, v3  }
0x138: {  	v16 =	vmul.f32 v63, v20;
	v5 =	vld.idx.msk [tilespmem:v18+s1+$0x0], $0xffff;
	v18 =	vmul.f32 v24, v28;
	v8 =	vadd.f32 v8, v4  }
0x139: {  	v22 =	vld [tilespmem:s2+$0x53E0];
	v3 =	vadd.f32 v3, v7;
	v7 =	vadd.f32 v14, v4;
	v6 =	vmul.f32 v62, v6  }
0x13a: {  	v20 =	vld [tilespmem:s2+$0x5420];
	v14 =	vmul.f32 v33, v58;
	v25 =	vadd.f32 v16, v11;
	v12 =	vadd.f32 v12, v11  }
0x13b: {  	v21 =	vld [tilespmem:s2+$0xD420];
	v19 =	vmul.f32 v17, v9;
	v9 =	vadd.f32 v18, v11;
	v15 =	vadd.f32 v6, v11  }
0x13c: {  	v24 =	vadd.f32 v27, v11;
	v16 =	vadd.f32 v14, v4;
	v17 =	vmul.f32 v26, v23;
	v23 =	vld [tilespmem:s2+$0xD3E0]  }
0x13d: {  	s3 =	simm.s32 $0x2;
	s22 =	simm.s32 $0x400;
	s26 =	simm.s32 $0x53D0;
	v6 =	vld.idx.msk [tilespmem:v13+s1+$0x0], $0xffff;
	v14 =	vmul.f32 v25, v5;
	v13 =	vadd.f32 v30, v11;
	v18 =	vmul.f32 v15, v5  }
.LBB2_8:
0x13e: {  	p0 =	slt.u32 s3, $0x7E  }
0x13f: {  	v26 =	vmov s3;
	v27 =	vld [tilespmem:s2+$0xD440];
	s2 =	sshra.s32 s22, $0x2;
	v10 =	vadd.f32 v10, v11;
	v25 =	vmul.f32 v14, v25;
	s9 =	smov.u32 s3;
	s3 =	sadd.s32 $0x2, s3  }
0x140: {  	v1 =	vadd.f32 v1, v11;
	v14 =	vadd.s32 $0x80, v26;
	v26 =	vld [tilespmem:s2+$0x5450];
	v11 =	vmul.f32 v24, v5  }
0x141: {  	s9 =	sadd.s32 $0x1, s9;
	v20 =	vmul.f32 v21, v20;
	v14 =	vand.u32 $0xFFFFFFFE, v14;
	v28 =	vld [tilespmem:s2+$0xD430];
	v21 =	vmul.f32 v10, v5  }
0x142: {  	v31 =	vmul.f32 v12, v5;
	v29 =	vmov s9;
	v14 =	vbroadcast v14, $0x0;
	v30 =	vld [tilespmem:s2+$0xD490]  }
0x143: {  	v29 =	vadd.s32 $0x80, v29;
	v11 =	vmul.f32 v11, v24;
	v32 =	vld [tilespmem:s2+$0xD470];
	v22 =	vmul.f32 v23, v22  }
0x144: {  	v19 =	vadd.f32 v19, v4;
	v24 =	vbroadcast v29, $0x0;
	v23 =	vld [tilespmem:s2+$0xD3F0];
	v2 =	vmul.f32 v27, v2  }
0x145: {  	v33 =	vmul.f32 v13, v5;
	v20 =	vadd.f32 v20, v4;
	v29 =	vmul.f32 v16, v6;
	v27 =	vld [tilespmem:s2+$0x5490]  }
0x146: {  	v35 =	vmul.f32 v8, v6;
	v21 =	vmul.f32 v21, v10;
	v34 =	vld [tilespmem:s2+$0x5430]  }
0x147: {  	v15 =	vmul.f32 v18, v15;
	v10 =	vadd.f32 v22, v4;
	v22 =	vmul.f32 v1, v5;
	v36 =	vld [tilespmem:s2+$0x53F0]  }
0x148: {  	v17 =	vadd.f32 v17, v4;
	v37 =	vmul.f32 v7, v6;
	v12 =	vmul.f32 v31, v12;
	v18 =	vld [tilespmem:s2+$0x5470]  }
0x149: {  	v16 =	vmul.f32 v29, v16;
	v29 =	vmul.f32 v20, v6;
	v2 =	vadd.f32 v2, v4;
	v31 =	vld [tilespmem:s2+$0xD410]  }
0x14a: {  	v5 =	vmul.f32 v9, v5;
	v4 =	vmul.f32 v35, v8;
	v8 =	vadd.f32 v25, v15;
	v38 =	vld [tilespmem:s2+$0xD480]  }
0x14b: {  	v13 =	vmul.f32 v33, v13;
	v7 =	vmul.f32 v37, v7;
	v15 =	vld [tilespmem:s2+$0x5410]  }
0x14c: {  	v33 =	vmul.f32 v10, v6;
	v5 =	vmul.f32 v5, v9;
	v25 =	vld [tilespmem:s2+$0xD4A0]  }
0x14d: {  	v11 =	vadd.f32 v11, v13;
	v1 =	vmul.f32 v22, v1;
	v35 =	vmul.f32 v2, v6;
	v9 =	vld [tilespmem:s2+$0x54A0]  }
0x14e: {  	v22 =	vmul.f32 v17, v6;
	v6 =	vmul.f32 v19, v6;
	v5 =	vadd.f32 v12, v5;
	v13 =	vld [tilespmem:s2+$0xD4B0]  }
0x14f: {  	v20 =	vmul.f32 v29, v20;
	v8 =	vadd.f32 v8, v11;
	v33 =	vmul.f32 v33, v10;
	v12 =	vld [tilespmem:s2+$0xD4C0]  }
0x150: {  	v6 =	vmul.f32 v6, v19;
	v2 =	vmul.f32 v35, v2;
	v11 =	vld [tilespmem:s2+$0x5480]  }
0x151: {  	v17 =	vmul.f32 v22, v17;
	v7 =	vadd.f32 v20, v7;
	v10 =	vmul.f32 v32, v18;
	v19 =	vld [tilespmem:s2+$0xD450]  }
0x152: {  	v6 =	vadd.f32 v6, v16;
	v16 =	vadd.f32 v2, v4;
	v15 =	vmul.f32 v31, v15;
	v18 =	vld [tilespmem:s2+$0x54C0]  }
0x153: {  	v29 =	vmul.f32 v25, v9;
	v9 =	vadd.f32 v33, v17;
	v17 =	vadd.f32 v1, v21;
	v2 =	vld [tilespmem:s2+$0x5440]  }
0x154: {  	v27 =	vmul.f32 v30, v27;
	v7 =	vadd.f32 v16, v7;
	v4 =	vld.idx.msk [tilespmem:v14+s5+$0x0], $0xffff  }
0x155: {  	v6 =	vadd.f32 v6, v9;
	v16 =	vld [tilespmem:s2+$0x5460];
	v1 =	vmul.f32 v38, v11  }
0x156: {  	v9 =	vmul.f32 v28, v34;
	v5 =	vadd.f32 v17, v5;
	v20 =	vld [tilespmem:s2+$0xD460]  }
0x157: {  	v6 =	vadd.f32 v7, v6;
	v11 =	vld.idx.msk [tilespmem:v24+s5+$0x0], $0xffff  }
0x158: {  	v17 =	vmul.f32 v23, v36;
	v8 =	vadd.f32 v8, v5;
	v7 =	vld [tilespmem:s2+$0x54B0]  }
0x159: {  	v3 =	vadd.f32 v6, v3;
	v22 =	vld [tilespmem:s2+$0x5400]  }
0x15a: {  	v5 =	vld.idx.msk [tilespmem:v24+s1+$0x0], $0xffff  }
0x15b: {  	v3 =	vadd.f32 v8, v3;
	v23 =	vld [tilespmem:s2+$0xD400];
	v6 =	vmul.f32 v20, v16  }
0x15c: {  	v16 =	vmul.f32 v19, v26;
	v24 =	vld [tilespmem:s2+$0x53D0]  }
0x15d: {  	v8 =	vadd.f32 v9, v4;
	v26 =	vld [tilespmem:s2+$0xD3D0];
	v9 =	vmul.f32 v13, v7;
	v13 =	vmul.f32 v12, v18  }
.Ltmp3:
0x15e: {  	v7 =	vadd.f32 v15, v4;
	v12 =	vadd.f32 v6, v11;
	v20 =	vld [tilespmem:s2+$0x5420];
	(pc) =	sbr.rel @p0 .LBB2_8-.Ltmp3, $4  }
0x15f: {  	v21 =	vld [tilespmem:s2+$0xD420];
	v15 =	vadd.f32 v9, v11;
	v25 =	vadd.f32 v13, v11  }
0x160: {  	v9 =	vadd.f32 v16, v11;
	v6 =	vld.idx.msk [tilespmem:v14+s1+$0x0], $0xffff;
	v19 =	vmul.f32 v23, v22  }
0x161: {  	v16 =	vadd.f32 v17, v4;
	v22 =	vld [tilespmem:s2+$0x53E0];
	v18 =	vmul.f32 v15, v5;
	v14 =	vmul.f32 v25, v5  }
0x162: {  	s22 =	sadd.s32 $0x400, s22;
	v13 =	vadd.f32 v27, v11;
	v17 =	vmul.f32 v26, v24;
	v23 =	vld [tilespmem:s2+$0xD3E0];
	v24 =	vadd.f32 v29, v11  }
0x163: {  	s3 =	simm.s32 $0x180  }
0x164: {  	v26 =	vld [tilespmem:s2+$0xD440];
	[tilespmem:s26], [sflag:$0x5] =	stream.indirect.gather [spmem:s4], $0x80, s3, s21, $0xb8  }
0x165: {  	s9 =	simm.s32 $0xD3D0;
	s3 =	simm.s32 $0x380  }
0x166: {  	[tilespmem:s9], [sflag:$0x7] =	stream.indirect.gather [spmem:s6], $0x80, s3, s21, $0xb8;
	[tilespmem:$0x15260] =	vst v63  }
0x167: {  	_ =	swait.ge [sflag:s31], $0x4000  }
0x168: {  	[sflag:s31] =	ssyncset.done $0x0  }
0x169: {  	[sflag:s31] =	ssyncadd.s32 $0xFFFFC000  }
0x16a: {  	_ =	swait.ge [sflag:s0], $0x4000  }
0x16b: {  	[sflag:s0] =	ssyncset.done $0x0  }
0x16c: {  	s10 =	simm.s32 $0x1450;
	[sflag:s0] =	ssyncadd.s32 $0xFFFFC000  }
0x16d: {  	v27 =	vld [tilespmem:s10+$0xFFFFFFE0]  }
0x16e: {  	v28 =	vld [tilespmem:s10+$0x60]  }
0x16f: {  	s2 =	simm.s32 $0x9450;
	v29 =	vld [tilespmem:s10+$0x70]  }
0x170: {  	v31 =	vld [tilespmem:s2+$0x70]  }
0x171: {  	v14 =	vmul.f32 v14, v25;
	v35 =	vmul.f32 v12, v5;
	v32 =	vld [tilespmem:s2+$0x10]  }
0x172: {  	v10 =	vadd.f32 v10, v11;
	v15 =	vmul.f32 v18, v15;
	v33 =	vmul.f32 v24, v5;
	v54 =	vld [tilespmem:s10+$0x0]  }
0x173: {  	v20 =	vmul.f32 v21, v20;
	v38 =	vmul.f32 v13, v5;
	v21 =	vld [tilespmem:s2+$0x0]  }
0x174: {  	v11 =	vadd.f32 v1, v11;
	v34 =	vmul.f32 v10, v5;
	v55 =	vmul.f32 v16, v6;
	v36 =	vld [tilespmem:s10+$0xFFFFFF80]  }
0x175: {  	v22 =	vmul.f32 v23, v22;
	v23 =	vmul.f32 v33, v24;
	v24 =	vld [tilespmem:s2+$0x40]  }
0x176: {  	v19 =	vadd.f32 v19, v4;
	v39 =	vmul.f32 v8, v6;
	v56 =	vmul.f32 v11, v5;
	v37 =	vld [tilespmem:s10+$0xFFFFFFB0]  }
0x177: {  	v18 =	vmul.f32 v7, v6;
	v12 =	vmul.f32 v35, v12;
	v40 =	vld [tilespmem:s2+$0xFFFFFF80]  }
0x178: {  	v5 =	vmul.f32 v9, v5;
	v42 =	vmul.f32 v19, v6;
	v14 =	vadd.f32 v14, v15;
	v58 =	vld [tilespmem:s2+$0xFFFFFFB0]  }
0x179: {  	s9 =	simm.s32 $0x1;
	v20 =	vadd.f32 v20, v4;
	v16 =	vmul.f32 v55, v16;
	v7 =	vmul.f32 v18, v7;
	v59 =	vld [tilespmem:s2+$0xFFFFFFF0]  }
0x17a: {  	v30 =	vmov s9;
	v5 =	vmul.f32 v5, v9;
	v26 =	vmul.f32 v26, v2;
	v18 =	vld [tilespmem:s2+$0xFFFFFF90]  }
0x17b: {  	v15 =	vmul.f32 v42, v19;
	v30 =	vadd.s32 $0x100, v30;
	v22 =	vadd.f32 v22, v4;
	v41 =	vld [tilespmem:s2+$0x60]  }
0x17c: {  	v25 =	vbroadcast v30, $0x0;
	v26 =	vadd.f32 v26, v4;
	v4 =	vadd.f32 v17, v4;
	v61 =	vld [tilespmem:s10+$0xFFFFFFF0]  }
0x17d: {  	v57 =	vmul.f32 v20, v6;
	v17 =	vmul.f32 v22, v6;
	v62 =	vld [tilespmem:s10+$0xFFFFFFA0]  }
0x17e: {  	v9 =	vmul.f32 v26, v6;
	v6 =	vmul.f32 v4, v6;
	v19 =	vld [tilespmem:s10+$0xFFFFFFC0]  }
0x17f: {  	s22 =	simm.s32 $0x0;
	v13 =	vmul.f32 v38, v13;
	v10 =	vmul.f32 v34, v10;
	v15 =	vadd.f32 v15, v16;
	v16 =	vld [tilespmem:s2+$0xFFFFFFC0]  }
0x180: {  	v60 =	vmov s22;
	v8 =	vmul.f32 v39, v8;
	v4 =	vmul.f32 v6, v4;
	v6 =	vld [tilespmem:s10+$0xFFFFFFD0]  }
0x181: {  	v17 =	vmul.f32 v17, v22;
	v22 =	vadd.s32 $0x100, v60;
	v9 =	vmul.f32 v9, v26;
	v26 =	vld [tilespmem:s10+$0x40]  }
0x182: {  	v11 =	vmul.f32 v56, v11;
	v20 =	vmul.f32 v57, v20;
	v22 =	vand.u32 $0xFFFFFFFE, v22;
	v1 =	vld.idx.msk [tilespmem:v25+s1+$0x0], $0xffff  }
0x183: {  	v13 =	vadd.f32 v23, v13;
	v5 =	vadd.f32 v12, v5;
	v2 =	vld.idx.msk [tilespmem:v25+s5+$0x0], $0xffff;
	v22 =	vbroadcast v22, $0x0  }
0x184: {  	v7 =	vadd.f32 v20, v7;
	v25 =	vld [tilespmem:s10+$0xFFFFFF90];
	v8 =	vadd.f32 v9, v8  }
0x185: {  	v10 =	vadd.f32 v11, v10;
	v4 =	vadd.f32 v17, v4;
	v9 =	vld [tilespmem:s2+$0xFFFFFFD0]  }
0x186: {  	v12 =	vadd.f32 v14, v13;
	v11 =	vld [tilespmem:s2+$0xFFFFFFA0];
	v7 =	vadd.f32 v8, v7  }
0x187: {  	v4 =	vadd.f32 v15, v4;
	v8 =	vld [tilespmem:s2+$0xFFFFFFE0];
	v13 =	vmul.f32 v58, v37;
	v17 =	vmul.f32 v31, v29  }
0x188: {  	v5 =	vadd.f32 v10, v5;
	v63 =	vld [tilespmem:s10+$0x10];
	v16 =	vmul.f32 v16, v19;
	v19 =	vmul.f32 v21, v54  }
0x189: {  	v26 =	vmul.f32 v24, v26;
	v4 =	vadd.f32 v7, v4;
	v7 =	vmul.f32 v40, v36;
	v10 =	vld.idx.msk [tilespmem:v22+s5+$0x0], $0xffff  }
0x18a: {  	v5 =	vadd.f32 v12, v5;
	v14 =	vmul.f32 v18, v25;
	v25 =	vld [tilespmem:s10+$0x30];
	v15 =	vmul.f32 v9, v6  }
0x18b: {  	v12 =	vld.idx.msk [tilespmem:v22+s1+$0x0], $0xffff;
	v6 =	vadd.f32 v17, v2;
	v3 =	vadd.f32 v4, v3;
	v4 =	vmul.f32 v41, v28  }
0x18c: {  	v9 =	vmul.f32 v11, v62;
	v18 =	vmul.f32 v8, v27;
	v8 =	vld [tilespmem:s2+$0x30]  }
0x18d: {  	v11 =	vmul.f32 v6, v1;
	v3 =	vadd.f32 v5, v3;
	v17 =	vadd.f32 v4, v2  }
0x18e: {  	v23 =	vld [tilespmem:s10+$0x20];
	v22 =	vmul.f32 v59, v61;
	v5 =	vadd.f32 v7, v10;
	v7 =	vadd.f32 v9, v10  }
0x18f: {  	v21 =	vld [tilespmem:s2+$0x20];
	v4 =	vadd.f32 v13, v10;
	v20 =	vadd.f32 v16, v10;
	v13 =	vmul.f32 v11, v6  }
0x190: {  	v9 =	vadd.f32 v14, v10;
	v6 =	vadd.f32 v22, v10;
	v16 =	vmul.f32 v32, v63;
	v22 =	vld [tilespmem:s2+$0x50]  }
0x191: {  	s3 =	simm.s32 $0x1550;
	s9 =	simm.s32 $0x2;
	v11 =	vmul.f32 v5, v12;
	v24 =	vmul.f32 v8, v25;
	v8 =	vadd.f32 v26, v2;
	v25 =	vld [tilespmem:s10+$0x50]  }
.LBB2_10:
0x192: {  	s22 =	smov.u32 s9  }
0x193: {  	v26 =	vmov s9;
	v14 =	vld [tilespmem:s3+$0xFFFFFFE0];
	s10 =	sadd.s32 $0x1, s9;
	v27 =	vmul.f32 v9, v12;
	v19 =	vadd.f32 v19, v2;
	s2 =	sadd.s32 $0x100, s2;
	s22 =	sadd.s32 $0x2, s9  }
0x194: {  	p0 =	slt.u32 s9, $0x7E;
	v30 =	vmul.f32 v6, v12;
	v26 =	vadd.s32 $0x100, v26;
	v28 =	vmov s10;
	v29 =	vld [tilespmem:s3+$0x60]  }
0x195: {  	v26 =	vand.u32 $0xFFFFFFFE, v26;
	v21 =	vmul.f32 v21, v23;
	v23 =	vadd.f32 v24, v2;
	v31 =	vld [tilespmem:s3+$0x70]  }
0x196: {  	v32 =	vmul.f32 v20, v12;
	v33 =	vadd.f32 v16, v2;
	v24 =	vbroadcast v26, $0x0;
	v26 =	vld [tilespmem:s2+$0x70]  }
0x197: {  	v28 =	vadd.s32 $0x100, v28;
	v22 =	vmul.f32 v22, v25;
	v25 =	vmul.f32 v17, v1;
	v16 =	vld [tilespmem:s2+$0x10]  }
0x198: {  	v18 =	vadd.f32 v18, v10;
	v20 =	vmul.f32 v32, v20;
	v28 =	vbroadcast v28, $0x0;
	v34 =	vld [tilespmem:s3+$0x0]  }
0x199: {  	v10 =	vadd.f32 v15, v10;
	v15 =	vadd.f32 v21, v2;
	v17 =	vmul.f32 v25, v17;
	v32 =	vld [tilespmem:s2+$0x0]  }
0x19a: {  	v35 =	vmul.f32 v33, v1;
	v25 =	vmul.f32 v18, v12;
	v22 =	vadd.f32 v22, v2;
	v21 =	vld [tilespmem:s3+$0xFFFFFF80]  }
0x19b: {  	v37 =	vmul.f32 v7, v12;
	v38 =	vmul.f32 v10, v12;
	v36 =	vld [tilespmem:s2+$0x40]  }
0x19c: {  	v33 =	vmul.f32 v35, v33;
	v12 =	vmul.f32 v4, v12;
	v13 =	vadd.f32 v13, v17;
	v39 =	vld [tilespmem:s3+$0xFFFFFFB0]  }
0x19d: {  	v40 =	vmul.f32 v23, v1;
	v35 =	vmul.f32 v15, v1;
	v17 =	vld [tilespmem:s2+$0xFFFFFF80]  }
0x19e: {  	v42 =	vmul.f32 v19, v1;
	v43 =	vmul.f32 v22, v1;
	v41 =	vld.idx.msk [tilespmem:v28+s1+$0x0], $0xffff  }
0x19f: {  	v10 =	vmul.f32 v38, v10;
	v23 =	vmul.f32 v40, v23;
	v2 =	vld.idx.msk [tilespmem:v28+s5+$0x0], $0xffff  }
0x1a0: {  	v19 =	vmul.f32 v42, v19;
	v1 =	vmul.f32 v8, v1;
	v28 =	vld [tilespmem:s3+$0xFFFFFF90]  }
0x1a1: {  	v7 =	vmul.f32 v37, v7;
	v10 =	vadd.f32 v10, v20;
	v15 =	vmul.f32 v35, v15;
	v38 =	vld [tilespmem:s2+$0xFFFFFFB0]  }
0x1a2: {  	v5 =	vmul.f32 v11, v5;
	v9 =	vmul.f32 v27, v9;
	v11 =	vadd.f32 v33, v19;
	v20 =	vld [tilespmem:s2+$0xFFFFFFF0]  }
0x1a3: {  	v8 =	vmul.f32 v1, v8;
	v22 =	vmul.f32 v43, v22;
	v19 =	vld [tilespmem:s2+$0xFFFFFF90]  }
0x1a4: {  	v6 =	vmul.f32 v30, v6;
	v18 =	vmul.f32 v25, v18;
	v15 =	vadd.f32 v23, v15;
	v1 =	vmovc v41;
	v27 =	vld [tilespmem:s2+$0x60]  }
0x1a5: {  	v5 =	vadd.f32 v9, v5;
	v4 =	vmul.f32 v12, v4;
	v8 =	vadd.f32 v22, v8;
	v23 =	vld [tilespmem:s3+$0xFFFFFFF0]  }
0x1a6: {  	v6 =	vadd.f32 v6, v18;
	v9 =	vld [tilespmem:s3+$0xFFFFFFA0]  }
0x1a7: {  	v4 =	vadd.f32 v4, v7;
	v7 =	vadd.f32 v15, v11;
	v12 =	vld [tilespmem:s3+$0xFFFFFFC0]  }
0x1a8: {  	v8 =	vadd.f32 v13, v8;
	v11 =	vmul.f32 v17, v21;
	v22 =	vmul.f32 v19, v28;
	v15 =	vld [tilespmem:s3+$0xFFFFFFD0]  }
0x1a9: {  	v4 =	vadd.f32 v4, v5;
	v5 =	vadd.f32 v6, v10;
	v13 =	vld [tilespmem:s2+$0xFFFFFFC0]  }
0x1aa: {  	v7 =	vadd.f32 v8, v7;
	v6 =	vld [tilespmem:s2+$0xFFFFFFD0]  }
0x1ab: {  	v4 =	vadd.f32 v5, v4;
	v21 =	vmul.f32 v38, v39;
	v8 =	vld [tilespmem:s2+$0xFFFFFFA0]  }
0x1ac: {  	v5 =	vld [tilespmem:s2+$0xFFFFFFE0]  }
0x1ad: {  	v3 =	vadd.f32 v4, v3;
	v10 =	vld.idx.msk [tilespmem:v24+s5+$0x0], $0xffff  }
0x1ae: {  	v19 =	vmul.f32 v32, v34;
	v13 =	vmul.f32 v13, v12;
	v25 =	vld [tilespmem:s3+$0x30]  }
0x1af: {  	v4 =	vmul.f32 v26, v31;
	v3 =	vadd.f32 v7, v3;
	v15 =	vmul.f32 v6, v15;
	v6 =	vld [tilespmem:s3+$0x40]  }
0x1b0: {  	v7 =	vmul.f32 v8, v9;
	v8 =	vld [tilespmem:s3+$0x10]  }
0x1b1: {  	v9 =	vmul.f32 v27, v29;
	v12 =	vld.idx.msk [tilespmem:v24+s1+$0x0], $0xffff;
	v18 =	vmul.f32 v5, v14;
	v14 =	vadd.f32 v4, v2  }
0x1b2: {  	v24 =	vld [tilespmem:s2+$0x30]  }
.Ltmp4:
0x1b3: {  	v5 =	vadd.f32 v11, v10;
	v17 =	vadd.f32 v9, v2;
	v9 =	vmul.f32 v14, v1;
	(pc) =	sbr.rel @p0 .LBB2_10-.Ltmp4, $4  }
0x1b4: {  	v7 =	vadd.f32 v7, v10;
	v4 =	vadd.f32 v21, v10;
	v11 =	vmul.f32 v20, v23;
	v21 =	vld [tilespmem:s2+$0x20]  }
0x1b5: {  	v20 =	vadd.f32 v13, v10;
	v26 =	vmul.f32 v36, v6;
	v23 =	vld [tilespmem:s3+$0x20];
	v13 =	vmul.f32 v9, v14  }
0x1b6: {  	v6 =	vadd.f32 v11, v10;
	v9 =	vadd.f32 v22, v10;
	v16 =	vmul.f32 v16, v8;
	v22 =	vld [tilespmem:s2+$0x50]  }
0x1b7: {  	s9 =	smov.u32 s22;
	v11 =	vmul.f32 v5, v12;
	v8 =	vadd.f32 v26, v2;
	v24 =	vmul.f32 v24, v25;
	v25 =	vld [tilespmem:s3+$0x50];
	s3 =	sadd.s32 $0x100, s3  }
0x1b8: {  	_ =	swait.ge [sflag:s19], $0x4000  }
0x1b9: {  	[sflag:s19] =	ssyncset.done $0x0  }
0x1ba: {  	[sflag:s19] =	ssyncadd.s32 $0xFFFFC000  }
0x1bb: {  	_ =	swait.ge [sflag:s20], $0x4000  }
0x1bc: {  	[sflag:s20] =	ssyncset.done $0x0  }
0x1bd: {  	s2 =	simm.s32 $0x0;
	[sflag:s20] =	ssyncadd.s32 $0xFFFFC000  }
0x1be: {  	v14 =	vld [tilespmem:s2+$0x5450]  }
0x1bf: {  	v26 =	vld [tilespmem:s2+$0xD430]  }
0x1c0: {  	v27 =	vld [tilespmem:s2+$0xD490]  }
0x1c1: {  	v28 =	vld [tilespmem:s2+$0xD470]  }
0x1c2: {  	v29 =	vmul.f32 v9, v12;
	v19 =	vadd.f32 v19, v2;
	v30 =	vld [tilespmem:s2+$0xD3F0]  }
0x1c3: {  	v31 =	vmul.f32 v6, v12;
	v32 =	vmul.f32 v20, v12;
	v18 =	vadd.f32 v18, v10;
	v33 =	vld [tilespmem:s2+$0x5490]  }
0x1c4: {  	v16 =	vadd.f32 v16, v2;
	v21 =	vmul.f32 v21, v23;
	v23 =	vmul.f32 v17, v1;
	v34 =	vld [tilespmem:s2+$0x5430]  }
0x1c5: {  	v10 =	vadd.f32 v15, v10;
	v35 =	vmul.f32 v7, v12;
	v22 =	vmul.f32 v22, v25;
	v25 =	vld [tilespmem:s2+$0x53F0]  }
0x1c6: {  	s3 =	simm.s32 $0x0;
	v24 =	vadd.f32 v24, v2;
	v5 =	vmul.f32 v11, v5;
	v15 =	vmul.f32 v23, v17;
	v23 =	vld [tilespmem:s2+$0x5470]  }
0x1c7: {  	s22 =	simm.s32 $0x1;
	v39 =	vmov s3;
	v20 =	vmul.f32 v32, v20;
	v52 =	vmul.f32 v16, v1;
	v36 =	vld [tilespmem:s2+$0xD410]  }
0x1c8: {  	v59 =	vmov s22;
	v37 =	vmul.f32 v10, v12;
	v41 =	vmul.f32 v19, v1;
	v38 =	vld [tilespmem:s2+$0xD480]  }
0x1c9: {  	v54 =	vadd.s32 $0x180, v39;
	v7 =	vmul.f32 v35, v7;
	v9 =	vmul.f32 v29, v9;
	v40 =	vld [tilespmem:s2+$0x5410]  }
0x1ca: {  	v11 =	vadd.s32 $0x180, v59;
	v6 =	vmul.f32 v31, v6;
	v53 =	vmul.f32 v24, v1;
	v55 =	vld [tilespmem:s2+$0xD4A0]  }
0x1cb: {  	v17 =	vmul.f32 v18, v12;
	v21 =	vadd.f32 v21, v2;
	v12 =	vmul.f32 v4, v12;
	v57 =	vld [tilespmem:s2+$0x54A0]  }
0x1cc: {  	v56 =	vand.u32 $0xFFFFFFFE, v54;
	v16 =	vmul.f32 v52, v16;
	v10 =	vmul.f32 v37, v10;
	v58 =	vld [tilespmem:s2+$0xD4B0]  }
0x1cd: {  	v19 =	vmul.f32 v41, v19;
	v42 =	vmul.f32 v21, v1;
	v2 =	vadd.f32 v22, v2;
	v60 =	vld [tilespmem:s2+$0xD4C0]  }
0x1ce: {  	v22 =	vbroadcast v56, $0x0;
	v62 =	vld [tilespmem:s2+$0x5480];
	v13 =	vadd.f32 v13, v15;
	v15 =	vbroadcast v11, $0x0  }
0x1cf: {  	v63 =	vld [tilespmem:s2+$0xD450];
	v11 =	vmul.f32 v17, v18;
	v12 =	vmul.f32 v12, v4  }
0x1d0: {  	v5 =	vadd.f32 v9, v5;
	v17 =	vld [tilespmem:s2+$0x54C0];
	v61 =	vmul.f32 v2, v1;
	v1 =	vmul.f32 v8, v1  }
0x1d1: {  	v10 =	vadd.f32 v10, v20;
	v9 =	vld [tilespmem:s2+$0x5460];
	v6 =	vadd.f32 v6, v11  }
0x1d2: {  	v16 =	vadd.f32 v16, v19;
	v19 =	vld [tilespmem:s2+$0xD400];
	v7 =	vadd.f32 v12, v7;
	v1 =	vmul.f32 v1, v8  }
0x1d3: {  	v8 =	vmul.f32 v61, v2;
	v6 =	vadd.f32 v6, v10;
	v10 =	vmul.f32 v28, v23;
	v23 =	vld [tilespmem:s2+$0x53D0]  }
0x1d4: {  	v24 =	vmul.f32 v53, v24;
	v21 =	vmul.f32 v42, v21;
	v2 =	vld.idx.msk [tilespmem:v22+s5+$0x0], $0xffff  }
0x1d5: {  	v5 =	vadd.f32 v7, v5;
	v1 =	vadd.f32 v8, v1;
	v8 =	vld [tilespmem:s2+$0xD460]  }
0x1d6: {  	v12 =	vadd.f32 v24, v21;
	v11 =	vld.idx.msk [tilespmem:v15+s5+$0x0], $0xffff  }
0x1d7: {  	v6 =	vadd.f32 v6, v5;
	v1 =	vadd.f32 v13, v1;
	v13 =	vld [tilespmem:s2+$0x54B0]  }
0x1d8: {  	v18 =	vmul.f32 v36, v40;
	v24 =	vmul.f32 v55, v57;
	v7 =	vadd.f32 v12, v16;
	v16 =	vld [tilespmem:s2+$0x5400]  }
0x1d9: {  	v27 =	vmul.f32 v27, v33;
	v3 =	vadd.f32 v6, v3;
	v6 =	vmul.f32 v26, v34;
	v26 =	vld [tilespmem:s2+$0xD3D0]  }
0x1da: {  	v4 =	vld [tilespmem:s2+$0x5440];
	v14 =	vmul.f32 v63, v14;
	v1 =	vadd.f32 v1, v7;
	v8 =	vmul.f32 v8, v9  }
0x1db: {  	v5 =	vld.idx.msk [tilespmem:v15+s1+$0x0], $0xffff;
	v9 =	vmul.f32 v60, v17;
	v7 =	vadd.f32 v6, v2;
	v6 =	vadd.f32 v18, v2  }
0x1dc: {  	v20 =	vld [tilespmem:s2+$0x5420];
	v17 =	vmul.f32 v30, v25;
	v1 =	vadd.f32 v1, v3;
	v3 =	vmul.f32 v58, v13  }
0x1dd: {  	v21 =	vld [tilespmem:s2+$0xD420];
	v19 =	vmul.f32 v19, v16;
	v24 =	vadd.f32 v24, v11;
	v25 =	vadd.f32 v9, v11  }
0x1de: {  	v16 =	vadd.f32 v17, v2;
	v17 =	vmul.f32 v26, v23;
	v23 =	vld [tilespmem:s2+$0xD3E0];
	v15 =	vadd.f32 v3, v11  }
0x1df: {  	v12 =	vmul.f32 v38, v62;
	v13 =	vadd.f32 v8, v11;
	v9 =	vadd.f32 v14, v11;
	v3 =	vld.idx.msk [tilespmem:v22+s1+$0x0], $0xffff  }
0x1e0: {  	s3 =	simm.s32 $0x2;
	s22 =	simm.s32 $0x400;
	v14 =	vadd.f32 v27, v11;
	v22 =	vld [tilespmem:s2+$0x53E0];
	v8 =	vmul.f32 v25, v5;
	v18 =	vmul.f32 v15, v5  }
.LBB2_12:
0x1e1: {  	p0 =	slt.u32 s3, $0x7E  }
0x1e2: {  	v26 =	vmov s3;
	v27 =	vld [tilespmem:s2+$0xD440];
	s2 =	sshra.s32 s22, $0x2;
	v10 =	vadd.f32 v10, v11;
	v25 =	vmul.f32 v8, v25;
	s9 =	smov.u32 s3;
	s3 =	sadd.s32 $0x2, s3  }
0x1e3: {  	v11 =	vadd.f32 v12, v11;
	v8 =	vadd.s32 $0x180, v26;
	v26 =	vld [tilespmem:s2+$0x5450];
	v12 =	vmul.f32 v24, v5  }
0x1e4: {  	s9 =	sadd.s32 $0x1, s9;
	v20 =	vmul.f32 v21, v20;
	v8 =	vand.u32 $0xFFFFFFFE, v8;
	v28 =	vld [tilespmem:s2+$0xD430];
	v21 =	vmul.f32 v10, v5  }
0x1e5: {  	v31 =	vmul.f32 v13, v5;
	v29 =	vmov s9;
	v8 =	vbroadcast v8, $0x0;
	v30 =	vld [tilespmem:s2+$0xD490]  }
0x1e6: {  	v29 =	vadd.s32 $0x180, v29;
	v12 =	vmul.f32 v12, v24;
	v32 =	vld [tilespmem:s2+$0xD470];
	v22 =	vmul.f32 v23, v22  }
0x1e7: {  	v19 =	vadd.f32 v19, v2;
	v24 =	vbroadcast v29, $0x0;
	v23 =	vld [tilespmem:s2+$0xD3F0];
	v4 =	vmul.f32 v27, v4  }
0x1e8: {  	v33 =	vmul.f32 v14, v5;
	v20 =	vadd.f32 v20, v2;
	v29 =	vmul.f32 v16, v3;
	v27 =	vld [tilespmem:s2+$0x5490]  }
0x1e9: {  	v35 =	vmul.f32 v7, v3;
	v21 =	vmul.f32 v21, v10;
	v34 =	vld [tilespmem:s2+$0x5430]  }
0x1ea: {  	v15 =	vmul.f32 v18, v15;
	v10 =	vadd.f32 v22, v2;
	v22 =	vmul.f32 v11, v5;
	v36 =	vld [tilespmem:s2+$0x53F0]  }
0x1eb: {  	v17 =	vadd.f32 v17, v2;
	v37 =	vmul.f32 v6, v3;
	v13 =	vmul.f32 v31, v13;
	v18 =	vld [tilespmem:s2+$0x5470]  }
0x1ec: {  	v16 =	vmul.f32 v29, v16;
	v29 =	vmul.f32 v20, v3;
	v2 =	vadd.f32 v4, v2;
	v31 =	vld [tilespmem:s2+$0xD410]  }
0x1ed: {  	v5 =	vmul.f32 v9, v5;
	v4 =	vmul.f32 v35, v7;
	v7 =	vadd.f32 v25, v15;
	v38 =	vld [tilespmem:s2+$0xD480]  }
0x1ee: {  	v14 =	vmul.f32 v33, v14;
	v6 =	vmul.f32 v37, v6;
	v15 =	vld [tilespmem:s2+$0x5410]  }
0x1ef: {  	v33 =	vmul.f32 v10, v3;
	v5 =	vmul.f32 v5, v9;
	v25 =	vld [tilespmem:s2+$0xD4A0]  }
0x1f0: {  	v12 =	vadd.f32 v12, v14;
	v11 =	vmul.f32 v22, v11;
	v35 =	vmul.f32 v2, v3;
	v9 =	vld [tilespmem:s2+$0x54A0]  }
0x1f1: {  	v22 =	vmul.f32 v17, v3;
	v3 =	vmul.f32 v19, v3;
	v5 =	vadd.f32 v13, v5;
	v14 =	vld [tilespmem:s2+$0xD4B0]  }
0x1f2: {  	v20 =	vmul.f32 v29, v20;
	v7 =	vadd.f32 v7, v12;
	v33 =	vmul.f32 v33, v10;
	v13 =	vld [tilespmem:s2+$0xD4C0]  }
0x1f3: {  	v3 =	vmul.f32 v3, v19;
	v2 =	vmul.f32 v35, v2;
	v12 =	vld [tilespmem:s2+$0x5480]  }
0x1f4: {  	v17 =	vmul.f32 v22, v17;
	v6 =	vadd.f32 v20, v6;
	v10 =	vmul.f32 v32, v18;
	v19 =	vld [tilespmem:s2+$0xD450]  }
0x1f5: {  	v3 =	vadd.f32 v3, v16;
	v16 =	vadd.f32 v2, v4;
	v15 =	vmul.f32 v31, v15;
	v18 =	vld [tilespmem:s2+$0x54C0]  }
0x1f6: {  	v11 =	vadd.f32 v11, v21;
	v29 =	vmul.f32 v25, v9;
	v9 =	vadd.f32 v33, v17;
	v4 =	vld [tilespmem:s2+$0x5440]  }
0x1f7: {  	v27 =	vmul.f32 v30, v27;
	v6 =	vadd.f32 v16, v6;
	v2 =	vld.idx.msk [tilespmem:v8+s5+$0x0], $0xffff  }
0x1f8: {  	v3 =	vadd.f32 v3, v9;
	v16 =	vld [tilespmem:s2+$0x5460];
	v12 =	vmul.f32 v38, v12  }
0x1f9: {  	v5 =	vadd.f32 v11, v5;
	v9 =	vmul.f32 v28, v34;
	v17 =	vld [tilespmem:s2+$0xD460]  }
0x1fa: {  	v3 =	vadd.f32 v6, v3;
	v11 =	vld.idx.msk [tilespmem:v24+s5+$0x0], $0xffff  }
0x1fb: {  	v23 =	vmul.f32 v23, v36;
	v7 =	vadd.f32 v7, v5;
	v6 =	vld [tilespmem:s2+$0x54B0]  }
0x1fc: {  	v1 =	vadd.f32 v3, v1;
	v22 =	vld [tilespmem:s2+$0x5400]  }
0x1fd: {  	v5 =	vld.idx.msk [tilespmem:v24+s1+$0x0], $0xffff  }
0x1fe: {  	v1 =	vadd.f32 v7, v1;
	v24 =	vld [tilespmem:s2+$0xD400];
	v3 =	vmul.f32 v17, v16  }
0x1ff: {  	v16 =	vmul.f32 v19, v26;
	v17 =	vld [tilespmem:s2+$0x53D0]  }
0x200: {  	v7 =	vadd.f32 v9, v2;
	v26 =	vld [tilespmem:s2+$0xD3D0];
	v9 =	vmul.f32 v14, v6;
	v14 =	vmul.f32 v13, v18  }
.Ltmp5:
0x201: {  	v6 =	vadd.f32 v15, v2;
	v13 =	vadd.f32 v3, v11;
	v20 =	vld [tilespmem:s2+$0x5420];
	(pc) =	sbr.rel @p0 .LBB2_12-.Ltmp5, $4  }
0x202: {  	v21 =	vld [tilespmem:s2+$0xD420];
	v15 =	vadd.f32 v9, v11;
	v25 =	vadd.f32 v14, v11  }
0x203: {  	v9 =	vadd.f32 v16, v11;
	v3 =	vld.idx.msk [tilespmem:v8+s1+$0x0], $0xffff;
	v19 =	vmul.f32 v24, v22  }
0x204: {  	v16 =	vadd.f32 v23, v2;
	v22 =	vld [tilespmem:s2+$0x53E0];
	v18 =	vmul.f32 v15, v5;
	v8 =	vmul.f32 v25, v5  }
0x205: {  	s22 =	sadd.s32 $0x400, s22;
	v14 =	vadd.f32 v27, v11;
	v24 =	vadd.f32 v29, v11;
	v17 =	vmul.f32 v26, v17;
	v23 =	vld [tilespmem:s2+$0xD3E0]  }
0x206: {  	v8 =	vmul.f32 v8, v25  }
0x207: {  	v48 =	vmul.f32 v13, v5;
	v15 =	vmul.f32 v18, v15  }
0x208: {  	v10 =	vadd.f32 v10, v11;
	v56 =	vmul.f32 v9, v5;
	v46 =	vmul.f32 v24, v5  }
0x209: {  	v49 =	vadd.f32 v12, v11;
	v20 =	vmul.f32 v21, v20;
	v51 =	vmul.f32 v14, v5  }
0x20a: {  	v47 =	vmul.f32 v10, v5;
	v50 =	vmul.f32 v16, v3  }
0x20b: {  	v26 =	vld [tilespmem:s2+$0xD440];
	v19 =	vadd.f32 v19, v2;
	v52 =	vmul.f32 v7, v3;
	v53 =	vmul.f32 v49, v5  }
0x20c: {  	v54 =	vmul.f32 v6, v3;
	v13 =	vmul.f32 v48, v13  }
0x20d: {  	v5 =	vmul.f32 v56, v9;
	v59 =	vmul.f32 v19, v3  }
0x20e: {  	v24 =	vmul.f32 v46, v24;
	v14 =	vmul.f32 v51, v14  }
0x20f: {  	v22 =	vmul.f32 v23, v22;
	v10 =	vmul.f32 v47, v10  }
0x210: {  	v20 =	vadd.f32 v20, v2;
	v12 =	vmul.f32 v50, v16;
	v4 =	vmul.f32 v26, v4  }
0x211: {  	v7 =	vmul.f32 v52, v7;
	v6 =	vmul.f32 v54, v6;
	v22 =	vadd.f32 v22, v2  }
0x212: {  	v61 =	vmul.f32 v59, v19;
	v4 =	vadd.f32 v4, v2;
	v2 =	vadd.f32 v17, v2  }
0x213: {  	v55 =	vmul.f32 v20, v3;
	v57 =	vmul.f32 v22, v3  }
0x214: {  	v58 =	vmul.f32 v4, v3;
	v3 =	vmul.f32 v2, v3  }
0x215: {  	v8 =	vadd.f32 v8, v15;
	v60 =	vmul.f32 v55, v20;
	v17 =	vmul.f32 v57, v22  }
0x216: {  	v5 =	vadd.f32 v13, v5;
	v4 =	vmul.f32 v58, v4;
	v2 =	vmul.f32 v3, v2  }
0x217: {  	v62 =	vadd.f32 v61, v12;
	v6 =	vadd.f32 v60, v6;
	v3 =	vmul.f32 v53, v49  }
0x218: {  	v4 =	vadd.f32 v4, v7;
	v2 =	vadd.f32 v17, v2  }
0x219: {  	v14 =	vadd.f32 v24, v14;
	v3 =	vadd.f32 v3, v10  }
0x21a: {  	v4 =	vadd.f32 v4, v6;
	v2 =	vadd.f32 v62, v2  }
0x21b: {  	v63 =	vadd.f32 v8, v14  }
0x21c: {  	v3 =	vadd.f32 v3, v5;
	v2 =	vadd.f32 v4, v2;
	_ =	sdelay $0x1  }
0x21d: {  	v3 =	vadd.f32 v63, v3;
	v1 =	vadd.f32 v2, v1;
	_ =	sdelay $0x1  }
0x21e: {  	s25 =	sadd.s32 $0x1, s25;
	v1 =	vadd.f32 v3, v1  }
0x21f: {  	p0 =	sne.s32 s25, s12  }
.Ltmp6:
0x220: {  	s22 =	simm.s32 $0x113D0;
	[tilespmem:$0x113D0] =	vst v1;
	(pc) =	sbr.rel @p0 .LBB2_1-.Ltmp6, $4  }
0x221: {  	[hbm4b:s11+s7] =	stream.linear.scatter [tilespmem:s22], [sflag:$0x8], $0x10, $0x38;
	[tilespmem:$0x15260] =	vst v63  }
0x222: {  	_ =	swait.ge [sflag:s17], $0x10  }
0x223: {  	[sflag:s17] =	ssyncset.done $0x0  }
0x224: {  	[sflag:s17] =	ssyncadd.s32 $0xFFFFFFF0  }
0x225: {  	_ =	sfence.sel $0x180000  }
0x226: {  	[bflag:$0x0] =	sbarrier.arrive $0xFFFF  }
0x227: {  	_ =	strace $0x90000047  }
0x228: {  	s0 =	stileid.u32;
	[bflag:$0x2] =	sbarrier.arrive $0xFFFF  }
0x229: {  	p0 =	sne.s32 s0, $0x0;
	s0 =	rddreg [dreg:$0xa]  }
0x22a: {  	s0 =	sadd.s32 @!p0 $0x100000, s0  }
0x22b: {  	[sflag:s0] =	ssyncadd.tile.s32 @!p0 $0x1;
	_ =	shalt  }
.Lfunc_end2:
_tile_overlayer_lowered:
.L_overlay_start_2:
0x22c: {  	(tag) =	ssettag $0x2  }
0x22d: {  	s0 =	rddreg [dreg:$0x0];
	s2 =	stileid.u32  }
0x22e: {  	s1 =	rddreg [dreg:$0x1];
	p0 =	sne.s32 s2, $0x0  }
0x22f: {  	s3 =	rddreg [dreg:$0x2];
	[bflag:$0x3] =	sbarrier.arrive $0xFFFF;
	s2 =	simm.s32 @!p0 $0x1C08  }
0x230: {  	[timem:s3], [sflag:s2] =	dma.local @!p0 [hbm:s0], s1  }
0x231: {  	s0 =	simm.s32 @!p0 $0x8  }
0x232: {  	_ =	swait.ge @!p0 [sflag:s0], s1  }
0x233: {  	s1 =	ssub.s32 @!p0 $0x0, s1;
	[sflag:s0] =	ssyncset.done @!p0 $0x0  }
0x234: {  	[sflag:s0] =	ssyncadd.s32 @!p0 s1  }
0x235: {  	[bflag:$0x3] =	sbarrier.arrive $0xFFFF  }
0x236: {  	_ =	shalt  }

</sc_bundles>
